<compile_context>
chip_gen: v7x
topology: tpu7x:2x2x1
jax: 0.10.2.dev20260603
libtpu: 0.0.44.dev20260713+nightly
codegen_flags: <defaults>
</compile_context>

<pallas_src>
import jax
import jax.numpy as jnp
from jax import lax
from jax.experimental import pallas as pl
from jax.experimental.pallas import tpu as pltpu
from jax.experimental.pallas import tpu_sc as plsc

_N = 100000
_H = 128
_ZP = 128
_G = 1024

_NW = 32
_KC = 28
_L = 112
_NP = _NW * _KC * _L

_R = 112
_B = _R * 128
_GRID = _NP // _B


def _tc_body(z_ref, px_ref, py_ref, pz_ref, hi_ref, lo_ref, wpt_ref, b1_ref,
             wout_ref, y_ref):
    i = pl.program_id(0)
    wp0 = wpt_ref[:, 0:1]
    wp1 = wpt_ref[:, 1:2]
    wp2 = wpt_ref[:, 2:3]
    b1 = b1_ref[...]
    wout = wout_ref[...]
    rowi = lax.broadcasted_iota(jnp.int32, (_ZP, _B), 0)
    lane = lax.broadcasted_iota(jnp.int32, (1, _B), 1)

    zg = z_ref[...].reshape(1, _B)
    oh = (rowi == zg).astype(jnp.bfloat16)
    xt = jnp.dot(hi_ref[...], oh, preferred_element_type=jnp.float32)
    xt = xt + jnp.dot(lo_ref[...], oh, preferred_element_type=jnp.float32)
    xt = xt + wp0 * px_ref[...].reshape(1, _B)
    xt = xt + wp1 * py_ref[...].reshape(1, _B)
    xt = xt + wp2 * pz_ref[...].reshape(1, _B)
    xt = xt + b1
    xt = xt * jax.nn.sigmoid(xt)
    yg = jnp.sum(xt * wout, axis=0, keepdims=True)
    atom = i * _B + lane
    y_ref[...] = jnp.where(atom < _N, yg, 0.0).reshape(_R, 128)


def _sc_body(y_ref, b_ref, out_ref, bidx_v, y_v, zbuf, acc_sh, sem):
    c = lax.axis_index("c")
    s = lax.axis_index("s")
    w = c * 16 + s

    pltpu.sync_copy(b_ref.at[w], bidx_v)
    pltpu.sync_copy(y_ref.at[w], y_v)

    @pl.when(s == 0)
    def _():
        for j in range(_G // 16):
            zbuf[pl.ds(j * 16, 16)] = jnp.zeros((16,), jnp.float32)
        pltpu.sync_copy(zbuf, acc_sh)

    plsc.subcore_barrier()

    copies = [
        pltpu.async_copy(y_v.at[k], acc_sh.at[bidx_v.at[k]], sem, add=True)
        for k in range(_KC)
    ]
    for cp in copies:
        cp.wait()

    plsc.subcore_barrier()

    @pl.when(s == 0)
    def _():
        pltpu.sync_copy(acc_sh, out_ref.at[c])


@jax.jit
def kernel(z, pos, batch, embed, Wpos, W1, b1, Wout):
    pad = _NP - _N
    zi = jnp.concatenate([z.astype(jnp.int32), jnp.zeros((pad,), jnp.int32)])
    z2 = zi.reshape(_NP // 128, 128)
    posp = jnp.concatenate([pos, jnp.zeros((pad, 3), jnp.float32)], axis=0)
    px2 = posp[:, 0].reshape(_NP // 128, 128)
    py2 = posp[:, 1].reshape(_NP // 128, 128)
    pz2 = posp[:, 2].reshape(_NP // 128, 128)
    embp = jnp.zeros((_ZP, _H), jnp.float32).at[:embed.shape[0]].set(embed)
    emb2t = jnp.dot(embp, W1, precision=lax.Precision.HIGHEST).T
    wp2t = jnp.dot(Wpos, W1, precision=lax.Precision.HIGHEST).T
    emb2t_hi = emb2t.astype(jnp.bfloat16)
    emb2t_lo = (emb2t - emb2t_hi.astype(jnp.float32)).astype(jnp.bfloat16)

    y2 = pl.pallas_call(
        _tc_body,
        grid=(_GRID,),
        in_specs=[
            pl.BlockSpec((_R, 128), lambda i: (i, 0)),
            pl.BlockSpec((_R, 128), lambda i: (i, 0)),
            pl.BlockSpec((_R, 128), lambda i: (i, 0)),
            pl.BlockSpec((_R, 128), lambda i: (i, 0)),
            pl.BlockSpec((_H, _ZP), lambda i: (0, 0)),
            pl.BlockSpec((_H, _ZP), lambda i: (0, 0)),
            pl.BlockSpec((_H, 3), lambda i: (0, 0)),
            pl.BlockSpec((_H, 1), lambda i: (0, 0)),
            pl.BlockSpec((_H, 1), lambda i: (0, 0)),
        ],
        out_specs=pl.BlockSpec((_R, 128), lambda i: (i, 0)),
        out_shape=jax.ShapeDtypeStruct((_NP // 128, 128), jnp.float32),
        compiler_params=pltpu.CompilerParams(
            dimension_semantics=("parallel",)),
    )(z2, px2, py2, pz2, emb2t_hi, emb2t_lo, wp2t, b1.reshape(_H, 1), Wout)

    batch_p = jnp.concatenate(
        [batch.astype(jnp.int32), jnp.zeros((pad,), jnp.int32)])
    y3 = y2.reshape(_NW, _KC, _L)
    b3 = batch_p.reshape(_NW, _KC, _L)

    seg_sum = pl.kernel(
        _sc_body,
        out_type=jax.ShapeDtypeStruct((2, _G), jnp.float32),
        mesh=plsc.VectorSubcoreMesh(core_axis_name="c", subcore_axis_name="s"),
        scratch_types=[
            pltpu.VMEM((_KC, _L), jnp.int32),
            pltpu.VMEM((_KC, _L), jnp.float32),
            pltpu.VMEM((_G,), jnp.float32),
            pltpu.VMEM_SHARED((_G,), jnp.float32),
            pltpu.SemaphoreType.DMA,
        ],
    )(y3, b3)

    return (seg_sum[0] + seg_sum[1]).reshape(_G, 1)

# --- scband reference (transcript-rebuilt; emitter-appended) ---
"""Pipeline reference for scband-vi-snet-1898375545382 (READ-ONLY COPY).

The authoritative reference and input builder live on the scoring server;
editing this copy changes nothing except your own understanding.
"""

import jax, jax.numpy as jnp
import numpy as np

N = 100000
H = 128
ZMAX = 100
G = 1024
MEAN = 0.0
STD = 1.0


def setup_inputs(seed: int = 0) -> dict:
    key = jax.random.key(seed)
    ks = jax.random.split(key, 8)
    z = jax.random.randint(ks[0], (N,), 0, ZMAX)
    pos = jax.random.normal(ks[1], (N, 3), dtype=jnp.float32)
    batch = jnp.sort(jax.random.randint(ks[2], (N,), 0, G))
    # learned parameters: stand-in representation model (atom embedding + pos proj + MLP)
    # and output model pre_reduce head (H -> 1 energy contribution per atom)
    embed = jax.random.normal(ks[3], (ZMAX, H), dtype=jnp.float32) * 0.1
    Wpos = jax.random.normal(ks[4], (3, H), dtype=jnp.float32) * 0.1
    W1 = jax.random.normal(ks[5], (H, H), dtype=jnp.float32) * (1.0 / np.sqrt(H))
    b1 = jnp.zeros((H,), dtype=jnp.float32)
    Wout = jax.random.normal(ks[6], (H, 1), dtype=jnp.float32) * (1.0 / np.sqrt(H))
    return {"z": z, "pos": pos, "batch": batch, "embed": embed, "Wpos": Wpos, "W1": W1, "b1": b1, "Wout": Wout}


def reference(z, pos, batch, embed, Wpos, W1, b1, Wout):
    # representation_model(data) -> per-atom scalar features x (vector features v unused by this head)
    h = jnp.take(embed, z, axis=0) + pos @ Wpos
    x = jax.nn.silu(h @ W1 + b1)
    # output_model.pre_reduce: per-atom energy contribution
    y = x @ Wout
    # x = x * std (prior_model is None)
    y = y * STD
    # scatter(x, data.batch, dim=0, reduce='add')
    out = jax.ops.segment_sum(y, batch, num_segments=G)
    # post_reduce is identity; out = out + mean
    out = out + MEAN
    return out

if __name__ == "__main__":
    import jax
    _d = setup_inputs()
    print(jax.jit(kernel)(*tuple(_d.values())))

</pallas_src>

<mosaic_0001>
#map = affine_map<(d0, d1) -> (0, 0, 0)>
#map1 = affine_map<(d0, d1) -> (0, 0)>
module attributes {stable_mosaic.version = 14 : i64} {
  func.func @_sc_body(%arg0: i32, %arg1: i32, %arg2: memref<32x28x112xf32, #tpu.memory_space<hbm>>, %arg3: memref<32x28x112xi32, #tpu.memory_space<hbm>>, %arg4: memref<2x1024xf32, #tpu.memory_space<hbm>>, %arg5: memref<28x112xi32, #tpu.memory_space<vmem>>, %arg6: memref<28x112xf32, #tpu.memory_space<vmem>>, %arg7: memref<1024xf32, #tpu.memory_space<vmem>>, %arg8: memref<1024xf32, #tpu.memory_space<vmem_shared>>, %arg9: memref<!tpu.dma_semaphore, #tpu.memory_space<semaphore_mem>>) attributes {dimension_semantics = [#tpu.dimension_semantics<core_parallel>, #tpu.dimension_semantics<subcore_parallel>], iteration_bounds = array<i64: 2, 16>, scalar_prefetch = 0 : i64, scratch_operands = 5 : i64, tpu.core_type = #tpu.core_type<sc_vector_subcore>, window_params = [{transform_indices = #map}, {transform_indices = #map}, {transform_indices = #map1}]} {
    %mul3A = arith.constant 16 : i32
    %mul3A_0 = arith.muli %arg0, %mul3A : i32
    %add3A = arith.addi %mul3A_0, %arg1 : i32
    "tpu.region"() ({
      %run_scoped3A = tpu.sem_alloc : memref<!tpu.dma_semaphore, #tpu.memory_space<semaphore_mem>>
      %dma_start3A_567 = arith.constant 0 : i32
      %dma_start3A_568 = arith.constant 0 : i32
      %dma_start3A_569 = tpu.memref_slice %arg3[%add3A, %dma_start3A_567, %dma_start3A_568] : memref<32x28x112xi32, #tpu.memory_space<hbm>> -> memref<1x28x112xi32, #tpu.memory_space<hbm>>
      %dma_start3A_570 = tpu.memref_squeeze %dma_start3A_569 : memref<1x28x112xi32, #tpu.memory_space<hbm>> -> memref<28x112xi32, #tpu.memory_space<hbm>>
      %dma_start3A_571 = arith.constant 0 : i32
      %dma_start3A_572 = arith.constant 0 : i32
      %dma_start3A_573 = tpu.memref_slice %arg3[%add3A, %dma_start3A_571, %dma_start3A_572] : memref<32x28x112xi32, #tpu.memory_space<hbm>> -> memref<1x28x112xi32, #tpu.memory_space<hbm>>
      %dma_start3A_574 = tpu.memref_squeeze %dma_start3A_573 : memref<1x28x112xi32, #tpu.memory_space<hbm>> -> memref<28x112xi32, #tpu.memory_space<hbm>>
      tpu.enqueue_dma source(%dma_start3A_574 : memref<28x112xi32, #tpu.memory_space<hbm>>) target(%arg5 : memref<28x112xi32, #tpu.memory_space<vmem>>) target_semaphore(%run_scoped3A : memref<!tpu.dma_semaphore, #tpu.memory_space<semaphore_mem>>)
      %dma_wait3A_575 = arith.constant 0 : i32
      %dma_wait3A_576 = arith.constant 0 : i32
      %dma_wait3A_577 = tpu.memref_slice %arg3[%add3A, %dma_wait3A_575, %dma_wait3A_576] : memref<32x28x112xi32, #tpu.memory_space<hbm>> -> memref<1x28x112xi32, #tpu.memory_space<hbm>>
      %dma_wait3A_578 = tpu.memref_squeeze %dma_wait3A_577 : memref<1x28x112xi32, #tpu.memory_space<hbm>> -> memref<28x112xi32, #tpu.memory_space<hbm>>
      %dma_wait3A_579 = arith.constant 0 : i32
      %dma_wait3A_580 = arith.constant 0 : i32
      %dma_wait3A_581 = tpu.memref_slice %arg3[%add3A, %dma_wait3A_579, %dma_wait3A_580] : memref<32x28x112xi32, #tpu.memory_space<hbm>> -> memref<1x28x112xi32, #tpu.memory_space<hbm>>
      %dma_wait3A_582 = tpu.memref_squeeze %dma_wait3A_581 : memref<1x28x112xi32, #tpu.memory_space<hbm>> -> memref<28x112xi32, #tpu.memory_space<hbm>>
      tpu.wait_dma2 semaphore(%run_scoped3A : memref<!tpu.dma_semaphore, #tpu.memory_space<semaphore_mem>>) src(%dma_wait3A_582 : memref<28x112xi32, #tpu.memory_space<hbm>>) dst(%arg5 : memref<28x112xi32, #tpu.memory_space<vmem>>)
      tpu.yield
    }) : () -> ()
    "tpu.region"() ({
      %run_scoped3A = tpu.sem_alloc : memref<!tpu.dma_semaphore, #tpu.memory_space<semaphore_mem>>
      %dma_start3A_567 = arith.constant 0 : i32
      %dma_start3A_568 = arith.constant 0 : i32
      %dma_start3A_569 = tpu.memref_slice %arg2[%add3A, %dma_start3A_567, %dma_start3A_568] : memref<32x28x112xf32, #tpu.memory_space<hbm>> -> memref<1x28x112xf32, #tpu.memory_space<hbm>>
      %dma_start3A_570 = tpu.memref_squeeze %dma_start3A_569 : memref<1x28x112xf32, #tpu.memory_space<hbm>> -> memref<28x112xf32, #tpu.memory_space<hbm>>
      %dma_start3A_571 = arith.constant 0 : i32
      %dma_start3A_572 = arith.constant 0 : i32
      %dma_start3A_573 = tpu.memref_slice %arg2[%add3A, %dma_start3A_571, %dma_start3A_572] : memref<32x28x112xf32, #tpu.memory_space<hbm>> -> memref<1x28x112xf32, #tpu.memory_space<hbm>>
      %dma_start3A_574 = tpu.memref_squeeze %dma_start3A_573 : memref<1x28x112xf32, #tpu.memory_space<hbm>> -> memref<28x112xf32, #tpu.memory_space<hbm>>
      tpu.enqueue_dma source(%dma_start3A_574 : memref<28x112xf32, #tpu.memory_space<hbm>>) target(%arg6 : memref<28x112xf32, #tpu.memory_space<vmem>>) target_semaphore(%run_scoped3A : memref<!tpu.dma_semaphore, #tpu.memory_space<semaphore_mem>>)
      %dma_wait3A_575 = arith.constant 0 : i32
      %dma_wait3A_576 = arith.constant 0 : i32
      %dma_wait3A_577 = tpu.memref_slice %arg2[%add3A, %dma_wait3A_575, %dma_wait3A_576] : memref<32x28x112xf32, #tpu.memory_space<hbm>> -> memref<1x28x112xf32, #tpu.memory_space<hbm>>
      %dma_wait3A_578 = tpu.memref_squeeze %dma_wait3A_577 : memref<1x28x112xf32, #tpu.memory_space<hbm>> -> memref<28x112xf32, #tpu.memory_space<hbm>>
      %dma_wait3A_579 = arith.constant 0 : i32
      %dma_wait3A_580 = arith.constant 0 : i32
      %dma_wait3A_581 = tpu.memref_slice %arg2[%add3A, %dma_wait3A_579, %dma_wait3A_580] : memref<32x28x112xf32, #tpu.memory_space<hbm>> -> memref<1x28x112xf32, #tpu.memory_space<hbm>>
      %dma_wait3A_582 = tpu.memref_squeeze %dma_wait3A_581 : memref<1x28x112xf32, #tpu.memory_space<hbm>> -> memref<28x112xf32, #tpu.memory_space<hbm>>
      tpu.wait_dma2 semaphore(%run_scoped3A : memref<!tpu.dma_semaphore, #tpu.memory_space<semaphore_mem>>) src(%dma_wait3A_582 : memref<28x112xf32, #tpu.memory_space<hbm>>) dst(%arg6 : memref<28x112xf32, #tpu.memory_space<vmem>>)
      tpu.yield
    }) : () -> ()
    %eq3A = arith.constant 0 : i32
    %eq3A_1 = arith.cmpi eq, %arg1, %eq3A : i32
    %convert_element_type3A = arith.extui %eq3A_1 : i1 to i32
    %cond3A = arith.constant 0 : i32
    %cond3A_2 = arith.cmpi ne, %convert_element_type3A, %cond3A : i32
    scf.if %cond3A_2 {
      %broadcast_in_dim3A = arith.constant 0.000000e+00 : f32
      %broadcast_in_dim3A_567 = vector.broadcast %broadcast_in_dim3A : f32 to vector<16xf32>
      %swap3A = arith.constant 0 : index
      %swap3A_568 = tpu.vector_load %arg7[%swap3A] {strides = array<i32>} : memref<1024xf32, #tpu.memory_space<vmem>>, vector<16xf32>,
      %swap3A_569 = vector.shape_cast %swap3A_568 : vector<16xf32> to vector<16xf32>
      %swap3A_570 = vector.shape_cast %broadcast_in_dim3A_567 : vector<16xf32> to vector<16xf32>
      tpu.vector_store %arg7[%swap3A], %swap3A_570 {strides = array<i32>} : memref<1024xf32, #tpu.memory_space<vmem>>, vector<16xf32>,
      %broadcast_in_dim3A_571 = arith.constant 0.000000e+00 : f32
      %broadcast_in_dim3A_572 = vector.broadcast %broadcast_in_dim3A_571 : f32 to vector<16xf32>
      %swap3A_573 = arith.constant 16 : index
      %swap3A_574 = tpu.vector_load %arg7[%swap3A_573] {strides = array<i32>} : memref<1024xf32, #tpu.memory_space<vmem>>, vector<16xf32>,
      %swap3A_575 = vector.shape_cast %swap3A_574 : vector<16xf32> to vector<16xf32>
      %swap3A_576 = vector.shape_cast %broadcast_in_dim3A_572 : vector<16xf32> to vector<16xf32>
      tpu.vector_store %arg7[%swap3A_573], %swap3A_576 {strides = array<i32>} : memref<1024xf32, #tpu.memory_space<vmem>>, vector<16xf32>,
      %broadcast_in_dim3A_577 = arith.constant 0.000000e+00 : f32
      %broadcast_in_dim3A_578 = vector.broadcast %broadcast_in_dim3A_577 : f32 to vector<16xf32>
      %swap3A_579 = arith.constant 32 : index
      %swap3A_580 = tpu.vector_load %arg7[%swap3A_579] {strides = array<i32>} : memref<1024xf32, #tpu.memory_space<vmem>>, vector<16xf32>,
      %swap3A_581 = vector.shape_cast %swap3A_580 : vector<16xf32> to vector<16xf32>
      %swap3A_582 = vector.shape_cast %broadcast_in_dim3A_578 : vector<16xf32> to vector<16xf32>
      tpu.vector_store %arg7[%swap3A_579], %swap3A_582 {strides = array<i32>} : memref<1024xf32, #tpu.memory_space<vmem>>, vector<16xf32>,
      %broadcast_in_dim3A_583 = arith.constant 0.000000e+00 : f32
      %broadcast_in_dim3A_584 = vector.broadcast %broadcast_in_dim3A_583 : f32 to vector<16xf32>
      %swap3A_585 = arith.constant 48 : index
      %swap3A_586 = tpu.vector_load %arg7[%swap3A_585] {strides = array<i32>} : memref<1024xf32, #tpu.memory_space<vmem>>, vector<16xf32>,
      %swap3A_587 = vector.shape_cast %swap3A_586 : vector<16xf32> to vector<16xf32>
      %swap3A_588 = vector.shape_cast %broadcast_in_dim3A_584 : vector<16xf32> to vector<16xf32>
      tpu.vector_store %arg7[%swap3A_585], %swap3A_588 {strides = array<i32>} : memref<1024xf32, #tpu.memory_space<vmem>>, vector<16xf32>,
      %broadcast_in_dim3A_589 = arith.constant 0.000000e+00 : f32
      %broadcast_in_dim3A_590 = vector.broadcast %broadcast_in_dim3A_589 : f32 to vector<16xf32>
      %swap3A_591 = arith.constant 64 : index
      %swap3A_592 = tpu.vector_load %arg7[%swap3A_591] {strides = array<i32>} : memref<1024xf32, #tpu.memory_space<vmem>>, vector<16xf32>,
      %swap3A_593 = vector.shape_cast %swap3A_592 : vector<16xf32> to vector<16xf32>
      %swap3A_594 = vector.shape_cast %broadcast_in_dim3A_590 : vector<16xf32> to vector<16xf32>
      tpu.vector_store %arg7[%swap3A_591], %swap3A_594 {strides = array<i32>} : memref<1024xf32, #tpu.memory_space<vmem>>, vector<16xf32>,
      %broadcast_in_dim3A_595 = arith.constant 0.000000e+00 : f32
      %broadcast_in_dim3A_596 = vector.broadcast %broadcast_in_dim3A_595 : f32 to vector<16xf32>
      %swap3A_597 = arith.constant 80 : index
      %swap3A_598 = tpu.vector_load %arg7[%swap3A_597] {strides = array<i32>} : memref<1024xf32, #tpu.memory_space<vmem>>, vector<16xf32>,
      %swap3A_599 = vector.shape_cast %swap3A_598 : vector<16xf32> to vector<16xf32>
      %swap3A_600 = vector.shape_cast %broadcast_in_dim3A_596 : vector<16xf32> to vector<16xf32>
      tpu.vector_store %arg7[%swap3A_597], %swap3A_600 {strides = array<i32>} : memref<1024xf32, #tpu.memory_space<vmem>>, vector<16xf32>,
      %broadcast_in_dim3A_601 = arith.constant 0.000000e+00 : f32
      %broadcast_in_dim3A_602 = vector.broadcast %broadcast_in_dim3A_601 : f32 to vector<16xf32>
      %swap3A_603 = arith.constant 96 : index
      %swap3A_604 = tpu.vector_load %arg7[%swap3A_603] {strides = array<i32>} : memref<1024xf32, #tpu.memory_space<vmem>>, vector<16xf32>,
      %swap3A_605 = vector.shape_cast %swap3A_604 : vector<16xf32> to vector<16xf32>
      %swap3A_606 = vector.shape_cast %broadcast_in_dim3A_602 : vector<16xf32> to vector<16xf32>
      tpu.vector_store %arg7[%swap3A_603], %swap3A_606 {strides = array<i32>} : memref<1024xf32, #tpu.memory_space<vmem>>, vector<16xf32>,
      %broadcast_in_dim3A_607 = arith.constant 0.000000e+00 : f32
      %broadcast_in_dim3A_608 = vector.broadcast %broadcast_in_dim3A_607 : f32 to vector<16xf32>
      %swap3A_609 = arith.constant 112 : index
      %swap3A_610 = tpu.vector_load %arg7[%swap3A_609] {strides = array<i32>} : memref<1024xf32, #tpu.memory_space<vmem>>, vector<16xf32>,
      %swap3A_611 = vector.shape_cast %swap3A_610 : vector<16xf32> to vector<16xf32>
      %swap3A_612 = vector.shape_cast %broadcast_in_dim3A_608 : vector<16xf32> to vector<16xf32>
      tpu.vector_store %arg7[%swap3A_609], %swap3A_612 {strides = array<i32>} : memref<1024xf32, #tpu.memory_space<vmem>>, vector<16xf32>,
      %broadcast_in_dim3A_613 = arith.constant 0.000000e+00 : f32
      %broadcast_in_dim3A_614 = vector.broadcast %broadcast_in_dim3A_613 : f32 to vector<16xf32>
      %swap3A_615 = arith.constant 128 : index
      %swap3A_616 = tpu.vector_load %arg7[%swap3A_615] {strides = array<i32>} : memref<1024xf32, #tpu.memory_space<vmem>>, vector<16xf32>,
      %swap3A_617 = vector.shape_cast %swap3A_616 : vector<16xf32> to vector<16xf32>
      %swap3A_618 = vector.shape_cast %broadcast_in_dim3A_614 : vector<16xf32> to vector<16xf32>
      tpu.vector_store %arg7[%swap3A_615], %swap3A_618 {strides = array<i32>} : memref<1024xf32, #tpu.memory_space<vmem>>, vector<16xf32>,
      %broadcast_in_dim3A_619 = arith.constant 0.000000e+00 : f32
      %broadcast_in_dim3A_620 = vector.broadcast %broadcast_in_dim3A_619 : f32 to vector<16xf32>
      %swap3A_621 = arith.constant 144 : index
      %swap3A_622 = tpu.vector_load %arg7[%swap3A_621] {strides = array<i32>} : memref<1024xf32, #tpu.memory_space<vmem>>, vector<16xf32>,
      %swap3A_623 = vector.shape_cast %swap3A_622 : vector<16xf32> to vector<16xf32>
      %swap3A_624 = vector.shape_cast %broadcast_in_dim3A_620 : vector<16xf32> to vector<16xf32>
      tpu.vector_store %arg7[%swap3A_621], %swap3A_624 {strides = array<i32>} : memref<1024xf32, #tpu.memory_space<vmem>>, vector<16xf32>,
      %broadcast_in_dim3A_625 = arith.constant 0.000000e+00 : f32
      %broadcast_in_dim3A_626 = vector.broadcast %broadcast_in_dim3A_625 : f32 to vector<16xf32>
      %swap3A_627 = arith.constant 160 : index
      %swap3A_628 = tpu.vector_load %arg7[%swap3A_627] {strides = array<i32>} : memref<1024xf32, #tpu.memory_space<vmem>>, vector<16xf32>,
      %swap3A_629 = vector.shape_cast %swap3A_628 : vector<16xf32> to vector<16xf32>
      %swap3A_630 = vector.shape_cast %broadcast_in_dim3A_626 : vector<16xf32> to vector<16xf32>
      tpu.vector_store %arg7[%swap3A_627], %swap3A_630 {strides = array<i32>} : memref<1024xf32, #tpu.memory_space<vmem>>, vector<16xf32>,
      %broadcast_in_dim3A_631 = arith.constant 0.000000e+00 : f32
      %broadcast_in_dim3A_632 = vector.broadcast %broadcast_in_dim3A_631 : f32 to vector<16xf32>
      %swap3A_633 = arith.constant 176 : index
      %swap3A_634 = tpu.vector_load %arg7[%swap3A_633] {strides = array<i32>} : memref<1024xf32, #tpu.memory_space<vmem>>, vector<16xf32>,
      %swap3A_635 = vector.shape_cast %swap3A_634 : vector<16xf32> to vector<16xf32>
      %swap3A_636 = vector.shape_cast %broadcast_in_dim3A_632 : vector<16xf32> to vector<16xf32>
      tpu.vector_store %arg7[%swap3A_633], %swap3A_636 {strides = array<i32>} : memref<1024xf32, #tpu.memory_space<vmem>>, vector<16xf32>,
      %broadcast_in_dim3A_637 = arith.constant 0.000000e+00 : f32
      %broadcast_in_dim3A_638 = vector.broadcast %broadcast_in_dim3A_637 : f32 to vector<16xf32>
      %swap3A_639 = arith.constant 192 : index
      %swap3A_640 = tpu.vector_load %arg7[%swap3A_639] {strides = array<i32>} : memref<1024xf32, #tpu.memory_space<vmem>>, vector<16xf32>,
      %swap3A_641 = vector.shape_cast %swap3A_640 : vector<16xf32> to vector<16xf32>
      %swap3A_642 = vector.shape_cast %broadcast_in_dim3A_638 : vector<16xf32> to vector<16xf32>
      tpu.vector_store %arg7[%swap3A_639], %swap3A_642 {strides = array<i32>} : memref<1024xf32, #tpu.memory_space<vmem>>, vector<16xf32>,
      %broadcast_in_dim3A_643 = arith.constant 0.000000e+00 : f32
      %broadcast_in_dim3A_644 = vector.broadcast %broadcast_in_dim3A_643 : f32 to vector<16xf32>
      %swap3A_645 = arith.constant 208 : index
      %swap3A_646 = tpu.vector_load %arg7[%swap3A_645] {strides = array<i32>} : memref<1024xf32, #tpu.memory_space<vmem>>, vector<16xf32>,
      %swap3A_647 = vector.shape_cast %swap3A_646 : vector<16xf32> to vector<16xf32>
      %swap3A_648 = vector.shape_cast %broadcast_in_dim3A_644 : vector<16xf32> to vector<16xf32>
      tpu.vector_store %arg7[%swap3A_645], %swap3A_648 {strides = array<i32>} : memref<1024xf32, #tpu.memory_space<vmem>>, vector<16xf32>,
      %broadcast_in_dim3A_649 = arith.constant 0.000000e+00 : f32
      %broadcast_in_dim3A_650 = vector.broadcast %broadcast_in_dim3A_649 : f32 to vector<16xf32>
      %swap3A_651 = arith.constant 224 : index
      %swap3A_652 = tpu.vector_load %arg7[%swap3A_651] {strides = array<i32>} : memref<1024xf32, #tpu.memory_space<vmem>>, vector<16xf32>,
      %swap3A_653 = vector.shape_cast %swap3A_652 : vector<16xf32> to vector<16xf32>
      %swap3A_654 = vector.shape_cast %broadcast_in_dim3A_650 : vector<16xf32> to vector<16xf32>
      tpu.vector_store %arg7[%swap3A_651], %swap3A_654 {strides = array<i32>} : memref<1024xf32, #tpu.memory_space<vmem>>, vector<16xf32>,
      %broadcast_in_dim3A_655 = arith.constant 0.000000e+00 : f32
      %broadcast_in_dim3A_656 = vector.broadcast %broadcast_in_dim3A_655 : f32 to vector<16xf32>
      %swap3A_657 = arith.constant 240 : index
      %swap3A_658 = tpu.vector_load %arg7[%swap3A_657] {strides = array<i32>} : memref<1024xf32, #tpu.memory_space<vmem>>, vector<16xf32>,
      %swap3A_659 = vector.shape_cast %swap3A_658 : vector<16xf32> to vector<16xf32>
      %swap3A_660 = vector.shape_cast %broadcast_in_dim3A_656 : vector<16xf32> to vector<16xf32>
      tpu.vector_store %arg7[%swap3A_657], %swap3A_660 {strides = array<i32>} : memref<1024xf32, #tpu.memory_space<vmem>>, vector<16xf32>,
      %broadcast_in_dim3A_661 = arith.constant 0.000000e+00 : f32
      %broadcast_in_dim3A_662 = vector.broadcast %broadcast_in_dim3A_661 : f32 to vector<16xf32>
      %swap3A_663 = arith.constant 256 : index
      %swap3A_664 = tpu.vector_load %arg7[%swap3A_663] {strides = array<i32>} : memref<1024xf32, #tpu.memory_space<vmem>>, vector<16xf32>,
      %swap3A_665 = vector.shape_cast %swap3A_664 : vector<16xf32> to vector<16xf32>
      %swap3A_666 = vector.shape_cast %broadcast_in_dim3A_662 : vector<16xf32> to vector<16xf32>
      tpu.vector_store %arg7[%swap3A_663], %swap3A_666 {strides = array<i32>} : memref<1024xf32, #tpu.memory_space<vmem>>, vector<16xf32>,
      %broadcast_in_dim3A_667 = arith.constant 0.000000e+00 : f32
      %broadcast_in_dim3A_668 = vector.broadcast %broadcast_in_dim3A_667 : f32 to vector<16xf32>
      %swap3A_669 = arith.constant 272 : index
      %swap3A_670 = tpu.vector_load %arg7[%swap3A_669] {strides = array<i32>} : memref<1024xf32, #tpu.memory_space<vmem>>, vector<16xf32>,
      %swap3A_671 = vector.shape_cast %swap3A_670 : vector<16xf32> to vector<16xf32>
      %swap3A_672 = vector.shape_cast %broadcast_in_dim3A_668 : vector<16xf32> to vector<16xf32>
      tpu.vector_store %arg7[%swap3A_669], %swap3A_672 {strides = array<i32>} : memref<1024xf32, #tpu.memory_space<vmem>>, vector<16xf32>,
      %broadcast_in_dim3A_673 = arith.constant 0.000000e+00 : f32
      %broadcast_in_dim3A_674 = vector.broadcast %broadcast_in_dim3A_673 : f32 to vector<16xf32>
      %swap3A_675 = arith.constant 288 : index
      %swap3A_676 = tpu.vector_load %arg7[%swap3A_675] {strides = array<i32>} : memref<1024xf32, #tpu.memory_space<vmem>>, vector<16xf32>,
      %swap3A_677 = vector.shape_cast %swap3A_676 : vector<16xf32> to vector<16xf32>
      %swap3A_678 = vector.shape_cast %broadcast_in_dim3A_674 : vector<16xf32> to vector<16xf32>
      tpu.vector_store %arg7[%swap3A_675], %swap3A_678 {strides = array<i32>} : memref<1024xf32, #tpu.memory_space<vmem>>, vector<16xf32>,
      %broadcast_in_dim3A_679 = arith.constant 0.000000e+00 : f32
      %broadcast_in_dim3A_680 = vector.broadcast %broadcast_in_dim3A_679 : f32 to vector<16xf32>
      %swap3A_681 = arith.constant 304 : index
      %swap3A_682 = tpu.vector_load %arg7[%swap3A_681] {strides = array<i32>} : memref<1024xf32, #tpu.memory_space<vmem>>, vector<16xf32>,
      %swap3A_683 = vector.shape_cast %swap3A_682 : vector<16xf32> to vector<16xf32>
      %swap3A_684 = vector.shape_cast %broadcast_in_dim3A_680 : vector<16xf32> to vector<16xf32>
      tpu.vector_store %arg7[%swap3A_681], %swap3A_684 {strides = array<i32>} : memref<1024xf32, #tpu.memory_space<vmem>>, vector<16xf32>,
      %broadcast_in_dim3A_685 = arith.constant 0.000000e+00 : f32
      %broadcast_in_dim3A_686 = vector.broadcast %broadcast_in_dim3A_685 : f32 to vector<16xf32>
      %swap3A_687 = arith.constant 320 : index
      %swap3A_688 = tpu.vector_load %arg7[%swap3A_687] {strides = array<i32>} : memref<1024xf32, #tpu.memory_space<vmem>>, vector<16xf32>,
      %swap3A_689 = vector.shape_cast %swap3A_688 : vector<16xf32> to vector<16xf32>
      %swap3A_690 = vector.shape_cast %broadcast_in_dim3A_686 : vector<16xf32> to vector<16xf32>
      tpu.vector_store %arg7[%swap3A_687], %swap3A_690 {strides = array<i32>} : memref<1024xf32, #tpu.memory_space<vmem>>, vector<16xf32>,
      %broadcast_in_dim3A_691 = arith.constant 0.000000e+00 : f32
      %broadcast_in_dim3A_692 = vector.broadcast %broadcast_in_dim3A_691 : f32 to vector<16xf32>
      %swap3A_693 = arith.constant 336 : index
      %swap3A_694 = tpu.vector_load %arg7[%swap3A_693] {strides = array<i32>} : memref<1024xf32, #tpu.memory_space<vmem>>, vector<16xf32>,
      %swap3A_695 = vector.shape_cast %swap3A_694 : vector<16xf32> to vector<16xf32>
      %swap3A_696 = vector.shape_cast %broadcast_in_dim3A_692 : vector<16xf32> to vector<16xf32>
      tpu.vector_store %arg7[%swap3A_693], %swap3A_696 {strides = array<i32>} : memref<1024xf32, #tpu.memory_space<vmem>>, vector<16xf32>,
      %broadcast_in_dim3A_697 = arith.constant 0.000000e+00 : f32
      %broadcast_in_dim3A_698 = vector.broadcast %broadcast_in_dim3A_697 : f32 to vector<16xf32>
      %swap3A_699 = arith.constant 352 : index
      %swap3A_700 = tpu.vector_load %arg7[%swap3A_699] {strides = array<i32>} : memref<1024xf32, #tpu.memory_space<vmem>>, vector<16xf32>,
      %swap3A_701 = vector.shape_cast %swap3A_700 : vector<16xf32> to vector<16xf32>
      %swap3A_702 = vector.shape_cast %broadcast_in_dim3A_698 : vector<16xf32> to vector<16xf32>
      tpu.vector_store %arg7[%swap3A_699], %swap3A_702 {strides = array<i32>} : memref<1024xf32, #tpu.memory_space<vmem>>, vector<16xf32>,
      %broadcast_in_dim3A_703 = arith.constant 0.000000e+00 : f32
      %broadcast_in_dim3A_704 = vector.broadcast %broadcast_in_dim3A_703 : f32 to vector<16xf32>
      %swap3A_705 = arith.constant 368 : index
      %swap3A_706 = tpu.vector_load %arg7[%swap3A_705] {strides = array<i32>} : memref<1024xf32, #tpu.memory_space<vmem>>, vector<16xf32>,
      %swap3A_707 = vector.shape_cast %swap3A_706 : vector<16xf32> to vector<16xf32>
      %swap3A_708 = vector.shape_cast %broadcast_in_dim3A_704 : vector<16xf32> to vector<16xf32>
      tpu.vector_store %arg7[%swap3A_705], %swap3A_708 {strides = array<i32>} : memref<1024xf32, #tpu.memory_space<vmem>>, vector<16xf32>,
      %broadcast_in_dim3A_709 = arith.constant 0.000000e+00 : f32
      %broadcast_in_dim3A_710 = vector.broadcast %broadcast_in_dim3A_709 : f32 to vector<16xf32>
      %swap3A_711 = arith.constant 384 : index
      %swap3A_712 = tpu.vector_load %arg7[%swap3A_711] {strides = array<i32>} : memref<1024xf32, #tpu.memory_space<vmem>>, vector<16xf32>,
      %swap3A_713 = vector.shape_cast %swap3A_712 : vector<16xf32> to vector<16xf32>
      %swap3A_714 = vector.shape_cast %broadcast_in_dim3A_710 : vector<16xf32> to vector<16xf32>
      tpu.vector_store %arg7[%swap3A_711], %swap3A_714 {strides = array<i32>} : memref<1024xf32, #tpu.memory_space<vmem>>, vector<16xf32>,
      %broadcast_in_dim3A_715 = arith.constant 0.000000e+00 : f32
      %broadcast_in_dim3A_716 = vector.broadcast %broadcast_in_dim3A_715 : f32 to vector<16xf32>
      %swap3A_717 = arith.constant 400 : index
      %swap3A_718 = tpu.vector_load %arg7[%swap3A_717] {strides = array<i32>} : memref<1024xf32, #tpu.memory_space<vmem>>, vector<16xf32>,
      %swap3A_719 = vector.shape_cast %swap3A_718 : vector<16xf32> to vector<16xf32>
      %swap3A_720 = vector.shape_cast %broadcast_in_dim3A_716 : vector<16xf32> to vector<16xf32>
      tpu.vector_store %arg7[%swap3A_717], %swap3A_720 {strides = array<i32>} : memref<1024xf32, #tpu.memory_space<vmem>>, vector<16xf32>,
      %broadcast_in_dim3A_721 = arith.constant 0.000000e+00 : f32
      %broadcast_in_dim3A_722 = vector.broadcast %broadcast_in_dim3A_721 : f32 to vector<16xf32>
      %swap3A_723 = arith.constant 416 : index
      %swap3A_724 = tpu.vector_load %arg7[%swap3A_723] {strides = array<i32>} : memref<1024xf32, #tpu.memory_space<vmem>>, vector<16xf32>,
      %swap3A_725 = vector.shape_cast %swap3A_724 : vector<16xf32> to vector<16xf32>
      %swap3A_726 = vector.shape_cast %broadcast_in_dim3A_722 : vector<16xf32> to vector<16xf32>
      tpu.vector_store %arg7[%swap3A_723], %swap3A_726 {strides = array<i32>} : memref<1024xf32, #tpu.memory_space<vmem>>, vector<16xf32>,
      %broadcast_in_dim3A_727 = arith.constant 0.000000e+00 : f32
      %broadcast_in_dim3A_728 = vector.broadcast %broadcast_in_dim3A_727 : f32 to vector<16xf32>
      %swap3A_729 = arith.constant 432 : index
      %swap3A_730 = tpu.vector_load %arg7[%swap3A_729] {strides = array<i32>} : memref<1024xf32, #tpu.memory_space<vmem>>, vector<16xf32>,
      %swap3A_731 = vector.shape_cast %swap3A_730 : vector<16xf32> to vector<16xf32>
      %swap3A_732 = vector.shape_cast %broadcast_in_dim3A_728 : vector<16xf32> to vector<16xf32>
      tpu.vector_store %arg7[%swap3A_729], %swap3A_732 {strides = array<i32>} : memref<1024xf32, #tpu.memory_space<vmem>>, vector<16xf32>,
      %broadcast_in_dim3A_733 = arith.constant 0.000000e+00 : f32
      %broadcast_in_dim3A_734 = vector.broadcast %broadcast_in_dim3A_733 : f32 to vector<16xf32>
      %swap3A_735 = arith.constant 448 : index
      %swap3A_736 = tpu.vector_load %arg7[%swap3A_735] {strides = array<i32>} : memref<1024xf32, #tpu.memory_space<vmem>>, vector<16xf32>,
      %swap3A_737 = vector.shape_cast %swap3A_736 : vector<16xf32> to vector<16xf32>
      %swap3A_738 = vector.shape_cast %broadcast_in_dim3A_734 : vector<16xf32> to vector<16xf32>
      tpu.vector_store %arg7[%swap3A_735], %swap3A_738 {strides = array<i32>} : memref<1024xf32, #tpu.memory_space<vmem>>, vector<16xf32>,
      %broadcast_in_dim3A_739 = arith.constant 0.000000e+00 : f32
      %broadcast_in_dim3A_740 = vector.broadcast %broadcast_in_dim3A_739 : f32 to vector<16xf32>
      %swap3A_741 = arith.constant 464 : index
      %swap3A_742 = tpu.vector_load %arg7[%swap3A_741] {strides = array<i32>} : memref<1024xf32, #tpu.memory_space<vmem>>, vector<16xf32>,
      %swap3A_743 = vector.shape_cast %swap3A_742 : vector<16xf32> to vector<16xf32>
      %swap3A_744 = vector.shape_cast %broadcast_in_dim3A_740 : vector<16xf32> to vector<16xf32>
      tpu.vector_store %arg7[%swap3A_741], %swap3A_744 {strides = array<i32>} : memref<1024xf32, #tpu.memory_space<vmem>>, vector<16xf32>,
      %broadcast_in_dim3A_745 = arith.constant 0.000000e+00 : f32
      %broadcast_in_dim3A_746 = vector.broadcast %broadcast_in_dim3A_745 : f32 to vector<16xf32>
      %swap3A_747 = arith.constant 480 : index
      %swap3A_748 = tpu.vector_load %arg7[%swap3A_747] {strides = array<i32>} : memref<1024xf32, #tpu.memory_space<vmem>>, vector<16xf32>,
      %swap3A_749 = vector.shape_cast %swap3A_748 : vector<16xf32> to vector<16xf32>
      %swap3A_750 = vector.shape_cast %broadcast_in_dim3A_746 : vector<16xf32> to vector<16xf32>
      tpu.vector_store %arg7[%swap3A_747], %swap3A_750 {strides = array<i32>} : memref<1024xf32, #tpu.memory_space<vmem>>, vector<16xf32>,
      %broadcast_in_dim3A_751 = arith.constant 0.000000e+00 : f32
      %broadcast_in_dim3A_752 = vector.broadcast %broadcast_in_dim3A_751 : f32 to vector<16xf32>
      %swap3A_753 = arith.constant 496 : index
      %swap3A_754 = tpu.vector_load %arg7[%swap3A_753] {strides = array<i32>} : memref<1024xf32, #tpu.memory_space<vmem>>, vector<16xf32>,
      %swap3A_755 = vector.shape_cast %swap3A_754 : vector<16xf32> to vector<16xf32>
      %swap3A_756 = vector.shape_cast %broadcast_in_dim3A_752 : vector<16xf32> to vector<16xf32>
      tpu.vector_store %arg7[%swap3A_753], %swap3A_756 {strides = array<i32>} : memref<1024xf32, #tpu.memory_space<vmem>>, vector<16xf32>,
      %broadcast_in_dim3A_757 = arith.constant 0.000000e+00 : f32
      %broadcast_in_dim3A_758 = vector.broadcast %broadcast_in_dim3A_757 : f32 to vector<16xf32>
      %swap3A_759 = arith.constant 512 : index
      %swap3A_760 = tpu.vector_load %arg7[%swap3A_759] {strides = array<i32>} : memref<1024xf32, #tpu.memory_space<vmem>>, vector<16xf32>,
      %swap3A_761 = vector.shape_cast %swap3A_760 : vector<16xf32> to vector<16xf32>
      %swap3A_762 = vector.shape_cast %broadcast_in_dim3A_758 : vector<16xf32> to vector<16xf32>
      tpu.vector_store %arg7[%swap3A_759], %swap3A_762 {strides = array<i32>} : memref<1024xf32, #tpu.memory_space<vmem>>, vector<16xf32>,
      %broadcast_in_dim3A_763 = arith.constant 0.000000e+00 : f32
      %broadcast_in_dim3A_764 = vector.broadcast %broadcast_in_dim3A_763 : f32 to vector<16xf32>
      %swap3A_765 = arith.constant 528 : index
      %swap3A_766 = tpu.vector_load %arg7[%swap3A_765] {strides = array<i32>} : memref<1024xf32, #tpu.memory_space<vmem>>, vector<16xf32>,
      %swap3A_767 = vector.shape_cast %swap3A_766 : vector<16xf32> to vector<16xf32>
      %swap3A_768 = vector.shape_cast %broadcast_in_dim3A_764 : vector<16xf32> to vector<16xf32>
      tpu.vector_store %arg7[%swap3A_765], %swap3A_768 {strides = array<i32>} : memref<1024xf32, #tpu.memory_space<vmem>>, vector<16xf32>,
      %broadcast_in_dim3A_769 = arith.constant 0.000000e+00 : f32
      %broadcast_in_dim3A_770 = vector.broadcast %broadcast_in_dim3A_769 : f32 to vector<16xf32>
      %swap3A_771 = arith.constant 544 : index
      %swap3A_772 = tpu.vector_load %arg7[%swap3A_771] {strides = array<i32>} : memref<1024xf32, #tpu.memory_space<vmem>>, vector<16xf32>,
      %swap3A_773 = vector.shape_cast %swap3A_772 : vector<16xf32> to vector<16xf32>
      %swap3A_774 = vector.shape_cast %broadcast_in_dim3A_770 : vector<16xf32> to vector<16xf32>
      tpu.vector_store %arg7[%swap3A_771], %swap3A_774 {strides = array<i32>} : memref<1024xf32, #tpu.memory_space<vmem>>, vector<16xf32>,
      %broadcast_in_dim3A_775 = arith.constant 0.000000e+00 : f32
      %broadcast_in_dim3A_776 = vector.broadcast %broadcast_in_dim3A_775 : f32 to vector<16xf32>
      %swap3A_777 = arith.constant 560 : index
      %swap3A_778 = tpu.vector_load %arg7[%swap3A_777] {strides = array<i32>} : memref<1024xf32, #tpu.memory_space<vmem>>, vector<16xf32>,
      %swap3A_779 = vector.shape_cast %swap3A_778 : vector<16xf32> to vector<16xf32>
      %swap3A_780 = vector.shape_cast %broadcast_in_dim3A_776 : vector<16xf32> to vector<16xf32>
      tpu.vector_store %arg7[%swap3A_777], %swap3A_780 {strides = array<i32>} : memref<1024xf32, #tpu.memory_space<vmem>>, vector<16xf32>,
      %broadcast_in_dim3A_781 = arith.constant 0.000000e+00 : f32
      %broadcast_in_dim3A_782 = vector.broadcast %broadcast_in_dim3A_781 : f32 to vector<16xf32>
      %swap3A_783 = arith.constant 576 : index
      %swap3A_784 = tpu.vector_load %arg7[%swap3A_783] {strides = array<i32>} : memref<1024xf32, #tpu.memory_space<vmem>>, vector<16xf32>,
      %swap3A_785 = vector.shape_cast %swap3A_784 : vector<16xf32> to vector<16xf32>
      %swap3A_786 = vector.shape_cast %broadcast_in_dim3A_782 : vector<16xf32> to vector<16xf32>
      tpu.vector_store %arg7[%swap3A_783], %swap3A_786 {strides = array<i32>} : memref<1024xf32, #tpu.memory_space<vmem>>, vector<16xf32>,
      %broadcast_in_dim3A_787 = arith.constant 0.000000e+00 : f32
      %broadcast_in_dim3A_788 = vector.broadcast %broadcast_in_dim3A_787 : f32 to vector<16xf32>
      %swap3A_789 = arith.constant 592 : index
      %swap3A_790 = tpu.vector_load %arg7[%swap3A_789] {strides = array<i32>} : memref<1024xf32, #tpu.memory_space<vmem>>, vector<16xf32>,
      %swap3A_791 = vector.shape_cast %swap3A_790 : vector<16xf32> to vector<16xf32>
      %swap3A_792 = vector.shape_cast %broadcast_in_dim3A_788 : vector<16xf32> to vector<16xf32>
      tpu.vector_store %arg7[%swap3A_789], %swap3A_792 {strides = array<i32>} : memref<1024xf32, #tpu.memory_space<vmem>>, vector<16xf32>,
      %broadcast_in_dim3A_793 = arith.constant 0.000000e+00 : f32
      %broadcast_in_dim3A_794 = vector.broadcast %broadcast_in_dim3A_793 : f32 to vector<16xf32>
      %swap3A_795 = arith.constant 608 : index
      %swap3A_796 = tpu.vector_load %arg7[%swap3A_795] {strides = array<i32>} : memref<1024xf32, #tpu.memory_space<vmem>>, vector<16xf32>,
      %swap3A_797 = vector.shape_cast %swap3A_796 : vector<16xf32> to vector<16xf32>
      %swap3A_798 = vector.shape_cast %broadcast_in_dim3A_794 : vector<16xf32> to vector<16xf32>
      tpu.vector_store %arg7[%swap3A_795], %swap3A_798 {strides = array<i32>} : memref<1024xf32, #tpu.memory_space<vmem>>, vector<16xf32>,
      %broadcast_in_dim3A_799 = arith.constant 0.000000e+00 : f32
      %broadcast_in_dim3A_800 = vector.broadcast %broadcast_in_dim3A_799 : f32 to vector<16xf32>
      %swap3A_801 = arith.constant 624 : index
      %swap3A_802 = tpu.vector_load %arg7[%swap3A_801] {strides = array<i32>} : memref<1024xf32, #tpu.memory_space<vmem>>, vector<16xf32>,
      %swap3A_803 = vector.shape_cast %swap3A_802 : vector<16xf32> to vector<16xf32>
      %swap3A_804 = vector.shape_cast %broadcast_in_dim3A_800 : vector<16xf32> to vector<16xf32>
      tpu.vector_store %arg7[%swap3A_801], %swap3A_804 {strides = array<i32>} : memref<1024xf32, #tpu.memory_space<vmem>>, vector<16xf32>,
      %broadcast_in_dim3A_805 = arith.constant 0.000000e+00 : f32
      %broadcast_in_dim3A_806 = vector.broadcast %broadcast_in_dim3A_805 : f32 to vector<16xf32>
      %swap3A_807 = arith.constant 640 : index
      %swap3A_808 = tpu.vector_load %arg7[%swap3A_807] {strides = array<i32>} : memref<1024xf32, #tpu.memory_space<vmem>>, vector<16xf32>,
      %swap3A_809 = vector.shape_cast %swap3A_808 : vector<16xf32> to vector<16xf32>
      %swap3A_810 = vector.shape_cast %broadcast_in_dim3A_806 : vector<16xf32> to vector<16xf32>
      tpu.vector_store %arg7[%swap3A_807], %swap3A_810 {strides = array<i32>} : memref<1024xf32, #tpu.memory_space<vmem>>, vector<16xf32>,
      %broadcast_in_dim3A_811 = arith.constant 0.000000e+00 : f32
      %broadcast_in_dim3A_812 = vector.broadcast %broadcast_in_dim3A_811 : f32 to vector<16xf32>
      %swap3A_813 = arith.constant 656 : index
      %swap3A_814 = tpu.vector_load %arg7[%swap3A_813] {strides = array<i32>} : memref<1024xf32, #tpu.memory_space<vmem>>, vector<16xf32>,
      %swap3A_815 = vector.shape_cast %swap3A_814 : vector<16xf32> to vector<16xf32>
      %swap3A_816 = vector.shape_cast %broadcast_in_dim3A_812 : vector<16xf32> to vector<16xf32>
      tpu.vector_store %arg7[%swap3A_813], %swap3A_816 {strides = array<i32>} : memref<1024xf32, #tpu.memory_space<vmem>>, vector<16xf32>,
      %broadcast_in_dim3A_817 = arith.constant 0.000000e+00 : f32
      %broadcast_in_dim3A_818 = vector.broadcast %broadcast_in_dim3A_817 : f32 to vector<16xf32>
      %swap3A_819 = arith.constant 672 : index
      %swap3A_820 = tpu.vector_load %arg7[%swap3A_819] {strides = array<i32>} : memref<1024xf32, #tpu.memory_space<vmem>>, vector<16xf32>,
      %swap3A_821 = vector.shape_cast %swap3A_820 : vector<16xf32> to vector<16xf32>
      %swap3A_822 = vector.shape_cast %broadcast_in_dim3A_818 : vector<16xf32> to vector<16xf32>
      tpu.vector_store %arg7[%swap3A_819], %swap3A_822 {strides = array<i32>} : memref<1024xf32, #tpu.memory_space<vmem>>, vector<16xf32>,
      %broadcast_in_dim3A_823 = arith.constant 0.000000e+00 : f32
      %broadcast_in_dim3A_824 = vector.broadcast %broadcast_in_dim3A_823 : f32 to vector<16xf32>
      %swap3A_825 = arith.constant 688 : index
      %swap3A_826 = tpu.vector_load %arg7[%swap3A_825] {strides = array<i32>} : memref<1024xf32, #tpu.memory_space<vmem>>, vector<16xf32>,
      %swap3A_827 = vector.shape_cast %swap3A_826 : vector<16xf32> to vector<16xf32>
      %swap3A_828 = vector.shape_cast %broadcast_in_dim3A_824 : vector<16xf32> to vector<16xf32>
      tpu.vector_store %arg7[%swap3A_825], %swap3A_828 {strides = array<i32>} : memref<1024xf32, #tpu.memory_space<vmem>>, vector<16xf32>,
      %broadcast_in_dim3A_829 = arith.constant 0.000000e+00 : f32
      %broadcast_in_dim3A_830 = vector.broadcast %broadcast_in_dim3A_829 : f32 to vector<16xf32>
      %swap3A_831 = arith.constant 704 : index
      %swap3A_832 = tpu.vector_load %arg7[%swap3A_831] {strides = array<i32>} : memref<1024xf32, #tpu.memory_space<vmem>>, vector<16xf32>,
      %swap3A_833 = vector.shape_cast %swap3A_832 : vector<16xf32> to vector<16xf32>
      %swap3A_834 = vector.shape_cast %broadcast_in_dim3A_830 : vector<16xf32> to vector<16xf32>
      tpu.vector_store %arg7[%swap3A_831], %swap3A_834 {strides = array<i32>} : memref<1024xf32, #tpu.memory_space<vmem>>, vector<16xf32>,
      %broadcast_in_dim3A_835 = arith.constant 0.000000e+00 : f32
      %broadcast_in_dim3A_836 = vector.broadcast %broadcast_in_dim3A_835 : f32 to vector<16xf32>
      %swap3A_837 = arith.constant 720 : index
      %swap3A_838 = tpu.vector_load %arg7[%swap3A_837] {strides = array<i32>} : memref<1024xf32, #tpu.memory_space<vmem>>, vector<16xf32>,
      %swap3A_839 = vector.shape_cast %swap3A_838 : vector<16xf32> to vector<16xf32>
      %swap3A_840 = vector.shape_cast %broadcast_in_dim3A_836 : vector<16xf32> to vector<16xf32>
      tpu.vector_store %arg7[%swap3A_837], %swap3A_840 {strides = array<i32>} : memref<1024xf32, #tpu.memory_space<vmem>>, vector<16xf32>,
      %broadcast_in_dim3A_841 = arith.constant 0.000000e+00 : f32
      %broadcast_in_dim3A_842 = vector.broadcast %broadcast_in_dim3A_841 : f32 to vector<16xf32>
      %swap3A_843 = arith.constant 736 : index
      %swap3A_844 = tpu.vector_load %arg7[%swap3A_843] {strides = array<i32>} : memref<1024xf32, #tpu.memory_space<vmem>>, vector<16xf32>,
      %swap3A_845 = vector.shape_cast %swap3A_844 : vector<16xf32> to vector<16xf32>
      %swap3A_846 = vector.shape_cast %broadcast_in_dim3A_842 : vector<16xf32> to vector<16xf32>
      tpu.vector_store %arg7[%swap3A_843], %swap3A_846 {strides = array<i32>} : memref<1024xf32, #tpu.memory_space<vmem>>, vector<16xf32>,
      %broadcast_in_dim3A_847 = arith.constant 0.000000e+00 : f32
      %broadcast_in_dim3A_848 = vector.broadcast %broadcast_in_dim3A_847 : f32 to vector<16xf32>
      %swap3A_849 = arith.constant 752 : index
      %swap3A_850 = tpu.vector_load %arg7[%swap3A_849] {strides = array<i32>} : memref<1024xf32, #tpu.memory_space<vmem>>, vector<16xf32>,
      %swap3A_851 = vector.shape_cast %swap3A_850 : vector<16xf32> to vector<16xf32>
      %swap3A_852 = vector.shape_cast %broadcast_in_dim3A_848 : vector<16xf32> to vector<16xf32>
      tpu.vector_store %arg7[%swap3A_849], %swap3A_852 {strides = array<i32>} : memref<1024xf32, #tpu.memory_space<vmem>>, vector<16xf32>,
      %broadcast_in_dim3A_853 = arith.constant 0.000000e+00 : f32
      %broadcast_in_dim3A_854 = vector.broadcast %broadcast_in_dim3A_853 : f32 to vector<16xf32>
      %swap3A_855 = arith.constant 768 : index
      %swap3A_856 = tpu.vector_load %arg7[%swap3A_855] {strides = array<i32>} : memref<1024xf32, #tpu.memory_space<vmem>>, vector<16xf32>,
      %swap3A_857 = vector.shape_cast %swap3A_856 : vector<16xf32> to vector<16xf32>
      %swap3A_858 = vector.shape_cast %broadcast_in_dim3A_854 : vector<16xf32> to vector<16xf32>
      tpu.vector_store %arg7[%swap3A_855], %swap3A_858 {strides = array<i32>} : memref<1024xf32, #tpu.memory_space<vmem>>, vector<16xf32>,
      %broadcast_in_dim3A_859 = arith.constant 0.000000e+00 : f32
      %broadcast_in_dim3A_860 = vector.broadcast %broadcast_in_dim3A_859 : f32 to vector<16xf32>
      %swap3A_861 = arith.constant 784 : index
      %swap3A_862 = tpu.vector_load %arg7[%swap3A_861] {strides = array<i32>} : memref<1024xf32, #tpu.memory_space<vmem>>, vector<16xf32>,
      %swap3A_863 = vector.shape_cast %swap3A_862 : vector<16xf32> to vector<16xf32>
      %swap3A_864 = vector.shape_cast %broadcast_in_dim3A_860 : vector<16xf32> to vector<16xf32>
      tpu.vector_store %arg7[%swap3A_861], %swap3A_864 {strides = array<i32>} : memref<1024xf32, #tpu.memory_space<vmem>>, vector<16xf32>,
      %broadcast_in_dim3A_865 = arith.constant 0.000000e+00 : f32
      %broadcast_in_dim3A_866 = vector.broadcast %broadcast_in_dim3A_865 : f32 to vector<16xf32>
      %swap3A_867 = arith.constant 800 : index
      %swap3A_868 = tpu.vector_load %arg7[%swap3A_867] {strides = array<i32>} : memref<1024xf32, #tpu.memory_space<vmem>>, vector<16xf32>,
      %swap3A_869 = vector.shape_cast %swap3A_868 : vector<16xf32> to vector<16xf32>
      %swap3A_870 = vector.shape_cast %broadcast_in_dim3A_866 : vector<16xf32> to vector<16xf32>
      tpu.vector_store %arg7[%swap3A_867], %swap3A_870 {strides = array<i32>} : memref<1024xf32, #tpu.memory_space<vmem>>, vector<16xf32>,
      %broadcast_in_dim3A_871 = arith.constant 0.000000e+00 : f32
      %broadcast_in_dim3A_872 = vector.broadcast %broadcast_in_dim3A_871 : f32 to vector<16xf32>
      %swap3A_873 = arith.constant 816 : index
      %swap3A_874 = tpu.vector_load %arg7[%swap3A_873] {strides = array<i32>} : memref<1024xf32, #tpu.memory_space<vmem>>, vector<16xf32>,
      %swap3A_875 = vector.shape_cast %swap3A_874 : vector<16xf32> to vector<16xf32>
      %swap3A_876 = vector.shape_cast %broadcast_in_dim3A_872 : vector<16xf32> to vector<16xf32>
      tpu.vector_store %arg7[%swap3A_873], %swap3A_876 {strides = array<i32>} : memref<1024xf32, #tpu.memory_space<vmem>>, vector<16xf32>,
      %broadcast_in_dim3A_877 = arith.constant 0.000000e+00 : f32
      %broadcast_in_dim3A_878 = vector.broadcast %broadcast_in_dim3A_877 : f32 to vector<16xf32>
      %swap3A_879 = arith.constant 832 : index
      %swap3A_880 = tpu.vector_load %arg7[%swap3A_879] {strides = array<i32>} : memref<1024xf32, #tpu.memory_space<vmem>>, vector<16xf32>,
      %swap3A_881 = vector.shape_cast %swap3A_880 : vector<16xf32> to vector<16xf32>
      %swap3A_882 = vector.shape_cast %broadcast_in_dim3A_878 : vector<16xf32> to vector<16xf32>
      tpu.vector_store %arg7[%swap3A_879], %swap3A_882 {strides = array<i32>} : memref<1024xf32, #tpu.memory_space<vmem>>, vector<16xf32>,
      %broadcast_in_dim3A_883 = arith.constant 0.000000e+00 : f32
      %broadcast_in_dim3A_884 = vector.broadcast %broadcast_in_dim3A_883 : f32 to vector<16xf32>
      %swap3A_885 = arith.constant 848 : index
      %swap3A_886 = tpu.vector_load %arg7[%swap3A_885] {strides = array<i32>} : memref<1024xf32, #tpu.memory_space<vmem>>, vector<16xf32>,
      %swap3A_887 = vector.shape_cast %swap3A_886 : vector<16xf32> to vector<16xf32>
      %swap3A_888 = vector.shape_cast %broadcast_in_dim3A_884 : vector<16xf32> to vector<16xf32>
      tpu.vector_store %arg7[%swap3A_885], %swap3A_888 {strides = array<i32>} : memref<1024xf32, #tpu.memory_space<vmem>>, vector<16xf32>,
      %broadcast_in_dim3A_889 = arith.constant 0.000000e+00 : f32
      %broadcast_in_dim3A_890 = vector.broadcast %broadcast_in_dim3A_889 : f32 to vector<16xf32>
      %swap3A_891 = arith.constant 864 : index
      %swap3A_892 = tpu.vector_load %arg7[%swap3A_891] {strides = array<i32>} : memref<1024xf32, #tpu.memory_space<vmem>>, vector<16xf32>,
      %swap3A_893 = vector.shape_cast %swap3A_892 : vector<16xf32> to vector<16xf32>
      %swap3A_894 = vector.shape_cast %broadcast_in_dim3A_890 : vector<16xf32> to vector<16xf32>
      tpu.vector_store %arg7[%swap3A_891], %swap3A_894 {strides = array<i32>} : memref<1024xf32, #tpu.memory_space<vmem>>, vector<16xf32>,
      %broadcast_in_dim3A_895 = arith.constant 0.000000e+00 : f32
      %broadcast_in_dim3A_896 = vector.broadcast %broadcast_in_dim3A_895 : f32 to vector<16xf32>
      %swap3A_897 = arith.constant 880 : index
      %swap3A_898 = tpu.vector_load %arg7[%swap3A_897] {strides = array<i32>} : memref<1024xf32, #tpu.memory_space<vmem>>, vector<16xf32>,
      %swap3A_899 = vector.shape_cast %swap3A_898 : vector<16xf32> to vector<16xf32>
      %swap3A_900 = vector.shape_cast %broadcast_in_dim3A_896 : vector<16xf32> to vector<16xf32>
      tpu.vector_store %arg7[%swap3A_897], %swap3A_900 {strides = array<i32>} : memref<1024xf32, #tpu.memory_space<vmem>>, vector<16xf32>,
      %broadcast_in_dim3A_901 = arith.constant 0.000000e+00 : f32
      %broadcast_in_dim3A_902 = vector.broadcast %broadcast_in_dim3A_901 : f32 to vector<16xf32>
      %swap3A_903 = arith.constant 896 : index
      %swap3A_904 = tpu.vector_load %arg7[%swap3A_903] {strides = array<i32>} : memref<1024xf32, #tpu.memory_space<vmem>>, vector<16xf32>,
      %swap3A_905 = vector.shape_cast %swap3A_904 : vector<16xf32> to vector<16xf32>
      %swap3A_906 = vector.shape_cast %broadcast_in_dim3A_902 : vector<16xf32> to vector<16xf32>
      tpu.vector_store %arg7[%swap3A_903], %swap3A_906 {strides = array<i32>} : memref<1024xf32, #tpu.memory_space<vmem>>, vector<16xf32>,
      %broadcast_in_dim3A_907 = arith.constant 0.000000e+00 : f32
      %broadcast_in_dim3A_908 = vector.broadcast %broadcast_in_dim3A_907 : f32 to vector<16xf32>
      %swap3A_909 = arith.constant 912 : index
      %swap3A_910 = tpu.vector_load %arg7[%swap3A_909] {strides = array<i32>} : memref<1024xf32, #tpu.memory_space<vmem>>, vector<16xf32>,
      %swap3A_911 = vector.shape_cast %swap3A_910 : vector<16xf32> to vector<16xf32>
      %swap3A_912 = vector.shape_cast %broadcast_in_dim3A_908 : vector<16xf32> to vector<16xf32>
      tpu.vector_store %arg7[%swap3A_909], %swap3A_912 {strides = array<i32>} : memref<1024xf32, #tpu.memory_space<vmem>>, vector<16xf32>,
      %broadcast_in_dim3A_913 = arith.constant 0.000000e+00 : f32
      %broadcast_in_dim3A_914 = vector.broadcast %broadcast_in_dim3A_913 : f32 to vector<16xf32>
      %swap3A_915 = arith.constant 928 : index
      %swap3A_916 = tpu.vector_load %arg7[%swap3A_915] {strides = array<i32>} : memref<1024xf32, #tpu.memory_space<vmem>>, vector<16xf32>,
      %swap3A_917 = vector.shape_cast %swap3A_916 : vector<16xf32> to vector<16xf32>
      %swap3A_918 = vector.shape_cast %broadcast_in_dim3A_914 : vector<16xf32> to vector<16xf32>
      tpu.vector_store %arg7[%swap3A_915], %swap3A_918 {strides = array<i32>} : memref<1024xf32, #tpu.memory_space<vmem>>, vector<16xf32>,
      %broadcast_in_dim3A_919 = arith.constant 0.000000e+00 : f32
      %broadcast_in_dim3A_920 = vector.broadcast %broadcast_in_dim3A_919 : f32 to vector<16xf32>
      %swap3A_921 = arith.constant 944 : index
      %swap3A_922 = tpu.vector_load %arg7[%swap3A_921] {strides = array<i32>} : memref<1024xf32, #tpu.memory_space<vmem>>, vector<16xf32>,
      %swap3A_923 = vector.shape_cast %swap3A_922 : vector<16xf32> to vector<16xf32>
      %swap3A_924 = vector.shape_cast %broadcast_in_dim3A_920 : vector<16xf32> to vector<16xf32>
      tpu.vector_store %arg7[%swap3A_921], %swap3A_924 {strides = array<i32>} : memref<1024xf32, #tpu.memory_space<vmem>>, vector<16xf32>,
      %broadcast_in_dim3A_925 = arith.constant 0.000000e+00 : f32
      %broadcast_in_dim3A_926 = vector.broadcast %broadcast_in_dim3A_925 : f32 to vector<16xf32>
      %swap3A_927 = arith.constant 960 : index
      %swap3A_928 = tpu.vector_load %arg7[%swap3A_927] {strides = array<i32>} : memref<1024xf32, #tpu.memory_space<vmem>>, vector<16xf32>,
      %swap3A_929 = vector.shape_cast %swap3A_928 : vector<16xf32> to vector<16xf32>
      %swap3A_930 = vector.shape_cast %broadcast_in_dim3A_926 : vector<16xf32> to vector<16xf32>
      tpu.vector_store %arg7[%swap3A_927], %swap3A_930 {strides = array<i32>} : memref<1024xf32, #tpu.memory_space<vmem>>, vector<16xf32>,
      %broadcast_in_dim3A_931 = arith.constant 0.000000e+00 : f32
      %broadcast_in_dim3A_932 = vector.broadcast %broadcast_in_dim3A_931 : f32 to vector<16xf32>
      %swap3A_933 = arith.constant 976 : index
      %swap3A_934 = tpu.vector_load %arg7[%swap3A_933] {strides = array<i32>} : memref<1024xf32, #tpu.memory_space<vmem>>, vector<16xf32>,
      %swap3A_935 = vector.shape_cast %swap3A_934 : vector<16xf32> to vector<16xf32>
      %swap3A_936 = vector.shape_cast %broadcast_in_dim3A_932 : vector<16xf32> to vector<16xf32>
      tpu.vector_store %arg7[%swap3A_933], %swap3A_936 {strides = array<i32>} : memref<1024xf32, #tpu.memory_space<vmem>>, vector<16xf32>,
      %broadcast_in_dim3A_937 = arith.constant 0.000000e+00 : f32
      %broadcast_in_dim3A_938 = vector.broadcast %broadcast_in_dim3A_937 : f32 to vector<16xf32>
      %swap3A_939 = arith.constant 992 : index
      %swap3A_940 = tpu.vector_load %arg7[%swap3A_939] {strides = array<i32>} : memref<1024xf32, #tpu.memory_space<vmem>>, vector<16xf32>,
      %swap3A_941 = vector.shape_cast %swap3A_940 : vector<16xf32> to vector<16xf32>
      %swap3A_942 = vector.shape_cast %broadcast_in_dim3A_938 : vector<16xf32> to vector<16xf32>
      tpu.vector_store %arg7[%swap3A_939], %swap3A_942 {strides = array<i32>} : memref<1024xf32, #tpu.memory_space<vmem>>, vector<16xf32>,
      %broadcast_in_dim3A_943 = arith.constant 0.000000e+00 : f32
      %broadcast_in_dim3A_944 = vector.broadcast %broadcast_in_dim3A_943 : f32 to vector<16xf32>
      %swap3A_945 = arith.constant 1008 : index
      %swap3A_946 = tpu.vector_load %arg7[%swap3A_945] {strides = array<i32>} : memref<1024xf32, #tpu.memory_space<vmem>>, vector<16xf32>,
      %swap3A_947 = vector.shape_cast %swap3A_946 : vector<16xf32> to vector<16xf32>
      %swap3A_948 = vector.shape_cast %broadcast_in_dim3A_944 : vector<16xf32> to vector<16xf32>
      tpu.vector_store %arg7[%swap3A_945], %swap3A_948 {strides = array<i32>} : memref<1024xf32, #tpu.memory_space<vmem>>, vector<16xf32>,
      "tpu.region"() ({
        %run_scoped3A = tpu.sem_alloc : memref<!tpu.dma_semaphore, #tpu.memory_space<semaphore_mem>>
        tpu.enqueue_dma source(%arg7 : memref<1024xf32, #tpu.memory_space<vmem>>) target(%arg8 : memref<1024xf32, #tpu.memory_space<vmem_shared>>) target_semaphore(%run_scoped3A : memref<!tpu.dma_semaphore, #tpu.memory_space<semaphore_mem>>)
        tpu.wait_dma2 semaphore(%run_scoped3A : memref<!tpu.dma_semaphore, #tpu.memory_space<semaphore_mem>>) src(%arg7 : memref<1024xf32, #tpu.memory_space<vmem>>) dst(%arg8 : memref<1024xf32, #tpu.memory_space<vmem_shared>>)
        tpu.yield
      }) : () -> ()
    } else {
    }
    %barrier3A = arith.constant 0 : index
    tpu.barrier barrier_id(%barrier3A)
    %dma_start3A = arith.constant 0 : i32
    %dma_start3A_3 = arith.constant 0 : i32
    %dma_start3A_4 = arith.constant 0 : i32
    %dma_start3A_5 = tpu.memref_slice %arg6[%dma_start3A, %dma_start3A_4] : memref<28x112xf32, #tpu.memory_space<vmem>> -> memref<1x112xf32, #tpu.memory_space<vmem>>
    %dma_start3A_6 = tpu.memref_squeeze %dma_start3A_5 : memref<1x112xf32, #tpu.memory_space<vmem>> -> memref<112xf32, #tpu.memory_space<vmem>>
    %dma_start3A_7 = arith.constant 0 : i32
    %dma_start3A_8 = tpu.memref_slice %arg5[%dma_start3A_3, %dma_start3A_7] : memref<28x112xi32, #tpu.memory_space<vmem>> -> memref<1x112xi32, #tpu.memory_space<vmem>>
    %dma_start3A_9 = tpu.memref_squeeze %dma_start3A_8 : memref<1x112xi32, #tpu.memory_space<vmem>> -> memref<112xi32, #tpu.memory_space<vmem>>
    %dma_start3A_10 = arith.constant 0 : i32
    %dma_start3A_11 = tpu.memref_slice %arg8[%dma_start3A_10] : memref<1024xf32, #tpu.memory_space<vmem_shared>> -> memref<1024xf32, #tpu.memory_space<vmem_shared>>
    tpu.enqueue_indirect_dma source(%dma_start3A_6 : memref<112xf32, #tpu.memory_space<vmem>>) target(%dma_start3A_11 : memref<1024xf32, #tpu.memory_space<vmem_shared>>) offsets(%dma_start3A_9 : memref<112xi32, #tpu.memory_space<vmem>>) semaphore(%arg9 : memref<!tpu.dma_semaphore, #tpu.memory_space<semaphore_mem>>) {add = true}
    %dma_start3A_12 = arith.constant 1 : i32
    %dma_start3A_13 = arith.constant 1 : i32
    %dma_start3A_14 = arith.constant 0 : i32
    %dma_start3A_15 = tpu.memref_slice %arg6[%dma_start3A_12, %dma_start3A_14] : memref<28x112xf32, #tpu.memory_space<vmem>> -> memref<1x112xf32, #tpu.memory_space<vmem>>
    %dma_start3A_16 = tpu.memref_squeeze %dma_start3A_15 : memref<1x112xf32, #tpu.memory_space<vmem>> -> memref<112xf32, #tpu.memory_space<vmem>>
    %dma_start3A_17 = arith.constant 0 : i32
    %dma_start3A_18 = tpu.memref_slice %arg5[%dma_start3A_13, %dma_start3A_17] : memref<28x112xi32, #tpu.memory_space<vmem>> -> memref<1x112xi32, #tpu.memory_space<vmem>>
    %dma_start3A_19 = tpu.memref_squeeze %dma_start3A_18 : memref<1x112xi32, #tpu.memory_space<vmem>> -> memref<112xi32, #tpu.memory_space<vmem>>
    %dma_start3A_20 = arith.constant 0 : i32
    %dma_start3A_21 = tpu.memref_slice %arg8[%dma_start3A_20] : memref<1024xf32, #tpu.memory_space<vmem_shared>> -> memref<1024xf32, #tpu.memory_space<vmem_shared>>
    tpu.enqueue_indirect_dma source(%dma_start3A_16 : memref<112xf32, #tpu.memory_space<vmem>>) target(%dma_start3A_21 : memref<1024xf32, #tpu.memory_space<vmem_shared>>) offsets(%dma_start3A_19 : memref<112xi32, #tpu.memory_space<vmem>>) semaphore(%arg9 : memref<!tpu.dma_semaphore, #tpu.memory_space<semaphore_mem>>) {add = true}
    %dma_start3A_22 = arith.constant 2 : i32
    %dma_start3A_23 = arith.constant 2 : i32
    %dma_start3A_24 = arith.constant 0 : i32
    %dma_start3A_25 = tpu.memref_slice %arg6[%dma_start3A_22, %dma_start3A_24] : memref<28x112xf32, #tpu.memory_space<vmem>> -> memref<1x112xf32, #tpu.memory_space<vmem>>
    %dma_start3A_26 = tpu.memref_squeeze %dma_start3A_25 : memref<1x112xf32, #tpu.memory_space<vmem>> -> memref<112xf32, #tpu.memory_space<vmem>>
    %dma_start3A_27 = arith.constant 0 : i32
    %dma_start3A_28 = tpu.memref_slice %arg5[%dma_start3A_23, %dma_start3A_27] : memref<28x112xi32, #tpu.memory_space<vmem>> -> memref<1x112xi32, #tpu.memory_space<vmem>>
    %dma_start3A_29 = tpu.memref_squeeze %dma_start3A_28 : memref<1x112xi32, #tpu.memory_space<vmem>> -> memref<112xi32, #tpu.memory_space<vmem>>
    %dma_start3A_30 = arith.constant 0 : i32
    %dma_start3A_31 = tpu.memref_slice %arg8[%dma_start3A_30] : memref<1024xf32, #tpu.memory_space<vmem_shared>> -> memref<1024xf32, #tpu.memory_space<vmem_shared>>
    tpu.enqueue_indirect_dma source(%dma_start3A_26 : memref<112xf32, #tpu.memory_space<vmem>>) target(%dma_start3A_31 : memref<1024xf32, #tpu.memory_space<vmem_shared>>) offsets(%dma_start3A_29 : memref<112xi32, #tpu.memory_space<vmem>>) semaphore(%arg9 : memref<!tpu.dma_semaphore, #tpu.memory_space<semaphore_mem>>) {add = true}
    %dma_start3A_32 = arith.constant 3 : i32
    %dma_start3A_33 = arith.constant 3 : i32
    %dma_start3A_34 = arith.constant 0 : i32
    %dma_start3A_35 = tpu.memref_slice %arg6[%dma_start3A_32, %dma_start3A_34] : memref<28x112xf32, #tpu.memory_space<vmem>> -> memref<1x112xf32, #tpu.memory_space<vmem>>
    %dma_start3A_36 = tpu.memref_squeeze %dma_start3A_35 : memref<1x112xf32, #tpu.memory_space<vmem>> -> memref<112xf32, #tpu.memory_space<vmem>>
    %dma_start3A_37 = arith.constant 0 : i32
    %dma_start3A_38 = tpu.memref_slice %arg5[%dma_start3A_33, %dma_start3A_37] : memref<28x112xi32, #tpu.memory_space<vmem>> -> memref<1x112xi32, #tpu.memory_space<vmem>>
    %dma_start3A_39 = tpu.memref_squeeze %dma_start3A_38 : memref<1x112xi32, #tpu.memory_space<vmem>> -> memref<112xi32, #tpu.memory_space<vmem>>
    %dma_start3A_40 = arith.constant 0 : i32
    %dma_start3A_41 = tpu.memref_slice %arg8[%dma_start3A_40] : memref<1024xf32, #tpu.memory_space<vmem_shared>> -> memref<1024xf32, #tpu.memory_space<vmem_shared>>
    tpu.enqueue_indirect_dma source(%dma_start3A_36 : memref<112xf32, #tpu.memory_space<vmem>>) target(%dma_start3A_41 : memref<1024xf32, #tpu.memory_space<vmem_shared>>) offsets(%dma_start3A_39 : memref<112xi32, #tpu.memory_space<vmem>>) semaphore(%arg9 : memref<!tpu.dma_semaphore, #tpu.memory_space<semaphore_mem>>) {add = true}
    %dma_start3A_42 = arith.constant 4 : i32
    %dma_start3A_43 = arith.constant 4 : i32
    %dma_start3A_44 = arith.constant 0 : i32
    %dma_start3A_45 = tpu.memref_slice %arg6[%dma_start3A_42, %dma_start3A_44] : memref<28x112xf32, #tpu.memory_space<vmem>> -> memref<1x112xf32, #tpu.memory_space<vmem>>
    %dma_start3A_46 = tpu.memref_squeeze %dma_start3A_45 : memref<1x112xf32, #tpu.memory_space<vmem>> -> memref<112xf32, #tpu.memory_space<vmem>>
    %dma_start3A_47 = arith.constant 0 : i32
    %dma_start3A_48 = tpu.memref_slice %arg5[%dma_start3A_43, %dma_start3A_47] : memref<28x112xi32, #tpu.memory_space<vmem>> -> memref<1x112xi32, #tpu.memory_space<vmem>>
    %dma_start3A_49 = tpu.memref_squeeze %dma_start3A_48 : memref<1x112xi32, #tpu.memory_space<vmem>> -> memref<112xi32, #tpu.memory_space<vmem>>
    %dma_start3A_50 = arith.constant 0 : i32
    %dma_start3A_51 = tpu.memref_slice %arg8[%dma_start3A_50] : memref<1024xf32, #tpu.memory_space<vmem_shared>> -> memref<1024xf32, #tpu.memory_space<vmem_shared>>
    tpu.enqueue_indirect_dma source(%dma_start3A_46 : memref<112xf32, #tpu.memory_space<vmem>>) target(%dma_start3A_51 : memref<1024xf32, #tpu.memory_space<vmem_shared>>) offsets(%dma_start3A_49 : memref<112xi32, #tpu.memory_space<vmem>>) semaphore(%arg9 : memref<!tpu.dma_semaphore, #tpu.memory_space<semaphore_mem>>) {add = true}
    %dma_start3A_52 = arith.constant 5 : i32
    %dma_start3A_53 = arith.constant 5 : i32
    %dma_start3A_54 = arith.constant 0 : i32
    %dma_start3A_55 = tpu.memref_slice %arg6[%dma_start3A_52, %dma_start3A_54] : memref<28x112xf32, #tpu.memory_space<vmem>> -> memref<1x112xf32, #tpu.memory_space<vmem>>
    %dma_start3A_56 = tpu.memref_squeeze %dma_start3A_55 : memref<1x112xf32, #tpu.memory_space<vmem>> -> memref<112xf32, #tpu.memory_space<vmem>>
    %dma_start3A_57 = arith.constant 0 : i32
    %dma_start3A_58 = tpu.memref_slice %arg5[%dma_start3A_53, %dma_start3A_57] : memref<28x112xi32, #tpu.memory_space<vmem>> -> memref<1x112xi32, #tpu.memory_space<vmem>>
    %dma_start3A_59 = tpu.memref_squeeze %dma_start3A_58 : memref<1x112xi32, #tpu.memory_space<vmem>> -> memref<112xi32, #tpu.memory_space<vmem>>
    %dma_start3A_60 = arith.constant 0 : i32
    %dma_start3A_61 = tpu.memref_slice %arg8[%dma_start3A_60] : memref<1024xf32, #tpu.memory_space<vmem_shared>> -> memref<1024xf32, #tpu.memory_space<vmem_shared>>
    tpu.enqueue_indirect_dma source(%dma_start3A_56 : memref<112xf32, #tpu.memory_space<vmem>>) target(%dma_start3A_61 : memref<1024xf32, #tpu.memory_space<vmem_shared>>) offsets(%dma_start3A_59 : memref<112xi32, #tpu.memory_space<vmem>>) semaphore(%arg9 : memref<!tpu.dma_semaphore, #tpu.memory_space<semaphore_mem>>) {add = true}
    %dma_start3A_62 = arith.constant 6 : i32
    %dma_start3A_63 = arith.constant 6 : i32
    %dma_start3A_64 = arith.constant 0 : i32
    %dma_start3A_65 = tpu.memref_slice %arg6[%dma_start3A_62, %dma_start3A_64] : memref<28x112xf32, #tpu.memory_space<vmem>> -> memref<1x112xf32, #tpu.memory_space<vmem>>
    %dma_start3A_66 = tpu.memref_squeeze %dma_start3A_65 : memref<1x112xf32, #tpu.memory_space<vmem>> -> memref<112xf32, #tpu.memory_space<vmem>>
    %dma_start3A_67 = arith.constant 0 : i32
    %dma_start3A_68 = tpu.memref_slice %arg5[%dma_start3A_63, %dma_start3A_67] : memref<28x112xi32, #tpu.memory_space<vmem>> -> memref<1x112xi32, #tpu.memory_space<vmem>>
    %dma_start3A_69 = tpu.memref_squeeze %dma_start3A_68 : memref<1x112xi32, #tpu.memory_space<vmem>> -> memref<112xi32, #tpu.memory_space<vmem>>
    %dma_start3A_70 = arith.constant 0 : i32
    %dma_start3A_71 = tpu.memref_slice %arg8[%dma_start3A_70] : memref<1024xf32, #tpu.memory_space<vmem_shared>> -> memref<1024xf32, #tpu.memory_space<vmem_shared>>
    tpu.enqueue_indirect_dma source(%dma_start3A_66 : memref<112xf32, #tpu.memory_space<vmem>>) target(%dma_start3A_71 : memref<1024xf32, #tpu.memory_space<vmem_shared>>) offsets(%dma_start3A_69 : memref<112xi32, #tpu.memory_space<vmem>>) semaphore(%arg9 : memref<!tpu.dma_semaphore, #tpu.memory_space<semaphore_mem>>) {add = true}
    %dma_start3A_72 = arith.constant 7 : i32
    %dma_start3A_73 = arith.constant 7 : i32
    %dma_start3A_74 = arith.constant 0 : i32
    %dma_start3A_75 = tpu.memref_slice %arg6[%dma_start3A_72, %dma_start3A_74] : memref<28x112xf32, #tpu.memory_space<vmem>> -> memref<1x112xf32, #tpu.memory_space<vmem>>
    %dma_start3A_76 = tpu.memref_squeeze %dma_start3A_75 : memref<1x112xf32, #tpu.memory_space<vmem>> -> memref<112xf32, #tpu.memory_space<vmem>>
    %dma_start3A_77 = arith.constant 0 : i32
    %dma_start3A_78 = tpu.memref_slice %arg5[%dma_start3A_73, %dma_start3A_77] : memref<28x112xi32, #tpu.memory_space<vmem>> -> memref<1x112xi32, #tpu.memory_space<vmem>>
    %dma_start3A_79 = tpu.memref_squeeze %dma_start3A_78 : memref<1x112xi32, #tpu.memory_space<vmem>> -> memref<112xi32, #tpu.memory_space<vmem>>
    %dma_start3A_80 = arith.constant 0 : i32
    %dma_start3A_81 = tpu.memref_slice %arg8[%dma_start3A_80] : memref<1024xf32, #tpu.memory_space<vmem_shared>> -> memref<1024xf32, #tpu.memory_space<vmem_shared>>
    tpu.enqueue_indirect_dma source(%dma_start3A_76 : memref<112xf32, #tpu.memory_space<vmem>>) target(%dma_start3A_81 : memref<1024xf32, #tpu.memory_space<vmem_shared>>) offsets(%dma_start3A_79 : memref<112xi32, #tpu.memory_space<vmem>>) semaphore(%arg9 : memref<!tpu.dma_semaphore, #tpu.memory_space<semaphore_mem>>) {add = true}
    %dma_start3A_82 = arith.constant 8 : i32
    %dma_start3A_83 = arith.constant 8 : i32
    %dma_start3A_84 = arith.constant 0 : i32
    %dma_start3A_85 = tpu.memref_slice %arg6[%dma_start3A_82, %dma_start3A_84] : memref<28x112xf32, #tpu.memory_space<vmem>> -> memref<1x112xf32, #tpu.memory_space<vmem>>
    %dma_start3A_86 = tpu.memref_squeeze %dma_start3A_85 : memref<1x112xf32, #tpu.memory_space<vmem>> -> memref<112xf32, #tpu.memory_space<vmem>>
    %dma_start3A_87 = arith.constant 0 : i32
    %dma_start3A_88 = tpu.memref_slice %arg5[%dma_start3A_83, %dma_start3A_87] : memref<28x112xi32, #tpu.memory_space<vmem>> -> memref<1x112xi32, #tpu.memory_space<vmem>>
    %dma_start3A_89 = tpu.memref_squeeze %dma_start3A_88 : memref<1x112xi32, #tpu.memory_space<vmem>> -> memref<112xi32, #tpu.memory_space<vmem>>
    %dma_start3A_90 = arith.constant 0 : i32
    %dma_start3A_91 = tpu.memref_slice %arg8[%dma_start3A_90] : memref<1024xf32, #tpu.memory_space<vmem_shared>> -> memref<1024xf32, #tpu.memory_space<vmem_shared>>
    tpu.enqueue_indirect_dma source(%dma_start3A_86 : memref<112xf32, #tpu.memory_space<vmem>>) target(%dma_start3A_91 : memref<1024xf32, #tpu.memory_space<vmem_shared>>) offsets(%dma_start3A_89 : memref<112xi32, #tpu.memory_space<vmem>>) semaphore(%arg9 : memref<!tpu.dma_semaphore, #tpu.memory_space<semaphore_mem>>) {add = true}
    %dma_start3A_92 = arith.constant 9 : i32
    %dma_start3A_93 = arith.constant 9 : i32
    %dma_start3A_94 = arith.constant 0 : i32
    %dma_start3A_95 = tpu.memref_slice %arg6[%dma_start3A_92, %dma_start3A_94] : memref<28x112xf32, #tpu.memory_space<vmem>> -> memref<1x112xf32, #tpu.memory_space<vmem>>
    %dma_start3A_96 = tpu.memref_squeeze %dma_start3A_95 : memref<1x112xf32, #tpu.memory_space<vmem>> -> memref<112xf32, #tpu.memory_space<vmem>>
    %dma_start3A_97 = arith.constant 0 : i32
    %dma_start3A_98 = tpu.memref_slice %arg5[%dma_start3A_93, %dma_start3A_97] : memref<28x112xi32, #tpu.memory_space<vmem>> -> memref<1x112xi32, #tpu.memory_space<vmem>>
    %dma_start3A_99 = tpu.memref_squeeze %dma_start3A_98 : memref<1x112xi32, #tpu.memory_space<vmem>> -> memref<112xi32, #tpu.memory_space<vmem>>
    %dma_start3A_100 = arith.constant 0 : i32
    %dma_start3A_101 = tpu.memref_slice %arg8[%dma_start3A_100] : memref<1024xf32, #tpu.memory_space<vmem_shared>> -> memref<1024xf32, #tpu.memory_space<vmem_shared>>
    tpu.enqueue_indirect_dma source(%dma_start3A_96 : memref<112xf32, #tpu.memory_space<vmem>>) target(%dma_start3A_101 : memref<1024xf32, #tpu.memory_space<vmem_shared>>) offsets(%dma_start3A_99 : memref<112xi32, #tpu.memory_space<vmem>>) semaphore(%arg9 : memref<!tpu.dma_semaphore, #tpu.memory_space<semaphore_mem>>) {add = true}
    %dma_start3A_102 = arith.constant 10 : i32
    %dma_start3A_103 = arith.constant 10 : i32
    %dma_start3A_104 = arith.constant 0 : i32
    %dma_start3A_105 = tpu.memref_slice %arg6[%dma_start3A_102, %dma_start3A_104] : memref<28x112xf32, #tpu.memory_space<vmem>> -> memref<1x112xf32, #tpu.memory_space<vmem>>
    %dma_start3A_106 = tpu.memref_squeeze %dma_start3A_105 : memref<1x112xf32, #tpu.memory_space<vmem>> -> memref<112xf32, #tpu.memory_space<vmem>>
    %dma_start3A_107 = arith.constant 0 : i32
    %dma_start3A_108 = tpu.memref_slice %arg5[%dma_start3A_103, %dma_start3A_107] : memref<28x112xi32, #tpu.memory_space<vmem>> -> memref<1x112xi32, #tpu.memory_space<vmem>>
    %dma_start3A_109 = tpu.memref_squeeze %dma_start3A_108 : memref<1x112xi32, #tpu.memory_space<vmem>> -> memref<112xi32, #tpu.memory_space<vmem>>
    %dma_start3A_110 = arith.constant 0 : i32
    %dma_start3A_111 = tpu.memref_slice %arg8[%dma_start3A_110] : memref<1024xf32, #tpu.memory_space<vmem_shared>> -> memref<1024xf32, #tpu.memory_space<vmem_shared>>
    tpu.enqueue_indirect_dma source(%dma_start3A_106 : memref<112xf32, #tpu.memory_space<vmem>>) target(%dma_start3A_111 : memref<1024xf32, #tpu.memory_space<vmem_shared>>) offsets(%dma_start3A_109 : memref<112xi32, #tpu.memory_space<vmem>>) semaphore(%arg9 : memref<!tpu.dma_semaphore, #tpu.memory_space<semaphore_mem>>) {add = true}
    %dma_start3A_112 = arith.constant 11 : i32
    %dma_start3A_113 = arith.constant 11 : i32
    %dma_start3A_114 = arith.constant 0 : i32
    %dma_start3A_115 = tpu.memref_slice %arg6[%dma_start3A_112, %dma_start3A_114] : memref<28x112xf32, #tpu.memory_space<vmem>> -> memref<1x112xf32, #tpu.memory_space<vmem>>
    %dma_start3A_116 = tpu.memref_squeeze %dma_start3A_115 : memref<1x112xf32, #tpu.memory_space<vmem>> -> memref<112xf32, #tpu.memory_space<vmem>>
    %dma_start3A_117 = arith.constant 0 : i32
    %dma_start3A_118 = tpu.memref_slice %arg5[%dma_start3A_113, %dma_start3A_117] : memref<28x112xi32, #tpu.memory_space<vmem>> -> memref<1x112xi32, #tpu.memory_space<vmem>>
    %dma_start3A_119 = tpu.memref_squeeze %dma_start3A_118 : memref<1x112xi32, #tpu.memory_space<vmem>> -> memref<112xi32, #tpu.memory_space<vmem>>
    %dma_start3A_120 = arith.constant 0 : i32
    %dma_start3A_121 = tpu.memref_slice %arg8[%dma_start3A_120] : memref<1024xf32, #tpu.memory_space<vmem_shared>> -> memref<1024xf32, #tpu.memory_space<vmem_shared>>
    tpu.enqueue_indirect_dma source(%dma_start3A_116 : memref<112xf32, #tpu.memory_space<vmem>>) target(%dma_start3A_121 : memref<1024xf32, #tpu.memory_space<vmem_shared>>) offsets(%dma_start3A_119 : memref<112xi32, #tpu.memory_space<vmem>>) semaphore(%arg9 : memref<!tpu.dma_semaphore, #tpu.memory_space<semaphore_mem>>) {add = true}
    %dma_start3A_122 = arith.constant 12 : i32
    %dma_start3A_123 = arith.constant 12 : i32
    %dma_start3A_124 = arith.constant 0 : i32
    %dma_start3A_125 = tpu.memref_slice %arg6[%dma_start3A_122, %dma_start3A_124] : memref<28x112xf32, #tpu.memory_space<vmem>> -> memref<1x112xf32, #tpu.memory_space<vmem>>
    %dma_start3A_126 = tpu.memref_squeeze %dma_start3A_125 : memref<1x112xf32, #tpu.memory_space<vmem>> -> memref<112xf32, #tpu.memory_space<vmem>>
    %dma_start3A_127 = arith.constant 0 : i32
    %dma_start3A_128 = tpu.memref_slice %arg5[%dma_start3A_123, %dma_start3A_127] : memref<28x112xi32, #tpu.memory_space<vmem>> -> memref<1x112xi32, #tpu.memory_space<vmem>>
    %dma_start3A_129 = tpu.memref_squeeze %dma_start3A_128 : memref<1x112xi32, #tpu.memory_space<vmem>> -> memref<112xi32, #tpu.memory_space<vmem>>
    %dma_start3A_130 = arith.constant 0 : i32
    %dma_start3A_131 = tpu.memref_slice %arg8[%dma_start3A_130] : memref<1024xf32, #tpu.memory_space<vmem_shared>> -> memref<1024xf32, #tpu.memory_space<vmem_shared>>
    tpu.enqueue_indirect_dma source(%dma_start3A_126 : memref<112xf32, #tpu.memory_space<vmem>>) target(%dma_start3A_131 : memref<1024xf32, #tpu.memory_space<vmem_shared>>) offsets(%dma_start3A_129 : memref<112xi32, #tpu.memory_space<vmem>>) semaphore(%arg9 : memref<!tpu.dma_semaphore, #tpu.memory_space<semaphore_mem>>) {add = true}
    %dma_start3A_132 = arith.constant 13 : i32
    %dma_start3A_133 = arith.constant 13 : i32
    %dma_start3A_134 = arith.constant 0 : i32
    %dma_start3A_135 = tpu.memref_slice %arg6[%dma_start3A_132, %dma_start3A_134] : memref<28x112xf32, #tpu.memory_space<vmem>> -> memref<1x112xf32, #tpu.memory_space<vmem>>
    %dma_start3A_136 = tpu.memref_squeeze %dma_start3A_135 : memref<1x112xf32, #tpu.memory_space<vmem>> -> memref<112xf32, #tpu.memory_space<vmem>>
    %dma_start3A_137 = arith.constant 0 : i32
    %dma_start3A_138 = tpu.memref_slice %arg5[%dma_start3A_133, %dma_start3A_137] : memref<28x112xi32, #tpu.memory_space<vmem>> -> memref<1x112xi32, #tpu.memory_space<vmem>>
    %dma_start3A_139 = tpu.memref_squeeze %dma_start3A_138 : memref<1x112xi32, #tpu.memory_space<vmem>> -> memref<112xi32, #tpu.memory_space<vmem>>
    %dma_start3A_140 = arith.constant 0 : i32
    %dma_start3A_141 = tpu.memref_slice %arg8[%dma_start3A_140] : memref<1024xf32, #tpu.memory_space<vmem_shared>> -> memref<1024xf32, #tpu.memory_space<vmem_shared>>
    tpu.enqueue_indirect_dma source(%dma_start3A_136 : memref<112xf32, #tpu.memory_space<vmem>>) target(%dma_start3A_141 : memref<1024xf32, #tpu.memory_space<vmem_shared>>) offsets(%dma_start3A_139 : memref<112xi32, #tpu.memory_space<vmem>>) semaphore(%arg9 : memref<!tpu.dma_semaphore, #tpu.memory_space<semaphore_mem>>) {add = true}
    %dma_start3A_142 = arith.constant 14 : i32
    %dma_start3A_143 = arith.constant 14 : i32
    %dma_start3A_144 = arith.constant 0 : i32
    %dma_start3A_145 = tpu.memref_slice %arg6[%dma_start3A_142, %dma_start3A_144] : memref<28x112xf32, #tpu.memory_space<vmem>> -> memref<1x112xf32, #tpu.memory_space<vmem>>
    %dma_start3A_146 = tpu.memref_squeeze %dma_start3A_145 : memref<1x112xf32, #tpu.memory_space<vmem>> -> memref<112xf32, #tpu.memory_space<vmem>>
    %dma_start3A_147 = arith.constant 0 : i32
    %dma_start3A_148 = tpu.memref_slice %arg5[%dma_start3A_143, %dma_start3A_147] : memref<28x112xi32, #tpu.memory_space<vmem>> -> memref<1x112xi32, #tpu.memory_space<vmem>>
    %dma_start3A_149 = tpu.memref_squeeze %dma_start3A_148 : memref<1x112xi32, #tpu.memory_space<vmem>> -> memref<112xi32, #tpu.memory_space<vmem>>
    %dma_start3A_150 = arith.constant 0 : i32
    %dma_start3A_151 = tpu.memref_slice %arg8[%dma_start3A_150] : memref<1024xf32, #tpu.memory_space<vmem_shared>> -> memref<1024xf32, #tpu.memory_space<vmem_shared>>
    tpu.enqueue_indirect_dma source(%dma_start3A_146 : memref<112xf32, #tpu.memory_space<vmem>>) target(%dma_start3A_151 : memref<1024xf32, #tpu.memory_space<vmem_shared>>) offsets(%dma_start3A_149 : memref<112xi32, #tpu.memory_space<vmem>>) semaphore(%arg9 : memref<!tpu.dma_semaphore, #tpu.memory_space<semaphore_mem>>) {add = true}
    %dma_start3A_152 = arith.constant 15 : i32
    %dma_start3A_153 = arith.constant 15 : i32
    %dma_start3A_154 = arith.constant 0 : i32
    %dma_start3A_155 = tpu.memref_slice %arg6[%dma_start3A_152, %dma_start3A_154] : memref<28x112xf32, #tpu.memory_space<vmem>> -> memref<1x112xf32, #tpu.memory_space<vmem>>
    %dma_start3A_156 = tpu.memref_squeeze %dma_start3A_155 : memref<1x112xf32, #tpu.memory_space<vmem>> -> memref<112xf32, #tpu.memory_space<vmem>>
    %dma_start3A_157 = arith.constant 0 : i32
    %dma_start3A_158 = tpu.memref_slice %arg5[%dma_start3A_153, %dma_start3A_157] : memref<28x112xi32, #tpu.memory_space<vmem>> -> memref<1x112xi32, #tpu.memory_space<vmem>>
    %dma_start3A_159 = tpu.memref_squeeze %dma_start3A_158 : memref<1x112xi32, #tpu.memory_space<vmem>> -> memref<112xi32, #tpu.memory_space<vmem>>
    %dma_start3A_160 = arith.constant 0 : i32
    %dma_start3A_161 = tpu.memref_slice %arg8[%dma_start3A_160] : memref<1024xf32, #tpu.memory_space<vmem_shared>> -> memref<1024xf32, #tpu.memory_space<vmem_shared>>
    tpu.enqueue_indirect_dma source(%dma_start3A_156 : memref<112xf32, #tpu.memory_space<vmem>>) target(%dma_start3A_161 : memref<1024xf32, #tpu.memory_space<vmem_shared>>) offsets(%dma_start3A_159 : memref<112xi32, #tpu.memory_space<vmem>>) semaphore(%arg9 : memref<!tpu.dma_semaphore, #tpu.memory_space<semaphore_mem>>) {add = true}
    %dma_start3A_162 = arith.constant 16 : i32
    %dma_start3A_163 = arith.constant 16 : i32
    %dma_start3A_164 = arith.constant 0 : i32
    %dma_start3A_165 = tpu.memref_slice %arg6[%dma_start3A_162, %dma_start3A_164] : memref<28x112xf32, #tpu.memory_space<vmem>> -> memref<1x112xf32, #tpu.memory_space<vmem>>
    %dma_start3A_166 = tpu.memref_squeeze %dma_start3A_165 : memref<1x112xf32, #tpu.memory_space<vmem>> -> memref<112xf32, #tpu.memory_space<vmem>>
    %dma_start3A_167 = arith.constant 0 : i32
    %dma_start3A_168 = tpu.memref_slice %arg5[%dma_start3A_163, %dma_start3A_167] : memref<28x112xi32, #tpu.memory_space<vmem>> -> memref<1x112xi32, #tpu.memory_space<vmem>>
    %dma_start3A_169 = tpu.memref_squeeze %dma_start3A_168 : memref<1x112xi32, #tpu.memory_space<vmem>> -> memref<112xi32, #tpu.memory_space<vmem>>
    %dma_start3A_170 = arith.constant 0 : i32
    %dma_start3A_171 = tpu.memref_slice %arg8[%dma_start3A_170] : memref<1024xf32, #tpu.memory_space<vmem_shared>> -> memref<1024xf32, #tpu.memory_space<vmem_shared>>
    tpu.enqueue_indirect_dma source(%dma_start3A_166 : memref<112xf32, #tpu.memory_space<vmem>>) target(%dma_start3A_171 : memref<1024xf32, #tpu.memory_space<vmem_shared>>) offsets(%dma_start3A_169 : memref<112xi32, #tpu.memory_space<vmem>>) semaphore(%arg9 : memref<!tpu.dma_semaphore, #tpu.memory_space<semaphore_mem>>) {add = true}
    %dma_start3A_172 = arith.constant 17 : i32
    %dma_start3A_173 = arith.constant 17 : i32
    %dma_start3A_174 = arith.constant 0 : i32
    %dma_start3A_175 = tpu.memref_slice %arg6[%dma_start3A_172, %dma_start3A_174] : memref<28x112xf32, #tpu.memory_space<vmem>> -> memref<1x112xf32, #tpu.memory_space<vmem>>
    %dma_start3A_176 = tpu.memref_squeeze %dma_start3A_175 : memref<1x112xf32, #tpu.memory_space<vmem>> -> memref<112xf32, #tpu.memory_space<vmem>>
    %dma_start3A_177 = arith.constant 0 : i32
    %dma_start3A_178 = tpu.memref_slice %arg5[%dma_start3A_173, %dma_start3A_177] : memref<28x112xi32, #tpu.memory_space<vmem>> -> memref<1x112xi32, #tpu.memory_space<vmem>>
    %dma_start3A_179 = tpu.memref_squeeze %dma_start3A_178 : memref<1x112xi32, #tpu.memory_space<vmem>> -> memref<112xi32, #tpu.memory_space<vmem>>
    %dma_start3A_180 = arith.constant 0 : i32
    %dma_start3A_181 = tpu.memref_slice %arg8[%dma_start3A_180] : memref<1024xf32, #tpu.memory_space<vmem_shared>> -> memref<1024xf32, #tpu.memory_space<vmem_shared>>
    tpu.enqueue_indirect_dma source(%dma_start3A_176 : memref<112xf32, #tpu.memory_space<vmem>>) target(%dma_start3A_181 : memref<1024xf32, #tpu.memory_space<vmem_shared>>) offsets(%dma_start3A_179 : memref<112xi32, #tpu.memory_space<vmem>>) semaphore(%arg9 : memref<!tpu.dma_semaphore, #tpu.memory_space<semaphore_mem>>) {add = true}
    %dma_start3A_182 = arith.constant 18 : i32
    %dma_start3A_183 = arith.constant 18 : i32
    %dma_start3A_184 = arith.constant 0 : i32
    %dma_start3A_185 = tpu.memref_slice %arg6[%dma_start3A_182, %dma_start3A_184] : memref<28x112xf32, #tpu.memory_space<vmem>> -> memref<1x112xf32, #tpu.memory_space<vmem>>
    %dma_start3A_186 = tpu.memref_squeeze %dma_start3A_185 : memref<1x112xf32, #tpu.memory_space<vmem>> -> memref<112xf32, #tpu.memory_space<vmem>>
    %dma_start3A_187 = arith.constant 0 : i32
    %dma_start3A_188 = tpu.memref_slice %arg5[%dma_start3A_183, %dma_start3A_187] : memref<28x112xi32, #tpu.memory_space<vmem>> -> memref<1x112xi32, #tpu.memory_space<vmem>>
    %dma_start3A_189 = tpu.memref_squeeze %dma_start3A_188 : memref<1x112xi32, #tpu.memory_space<vmem>> -> memref<112xi32, #tpu.memory_space<vmem>>
    %dma_start3A_190 = arith.constant 0 : i32
    %dma_start3A_191 = tpu.memref_slice %arg8[%dma_start3A_190] : memref<1024xf32, #tpu.memory_space<vmem_shared>> -> memref<1024xf32, #tpu.memory_space<vmem_shared>>
    tpu.enqueue_indirect_dma source(%dma_start3A_186 : memref<112xf32, #tpu.memory_space<vmem>>) target(%dma_start3A_191 : memref<1024xf32, #tpu.memory_space<vmem_shared>>) offsets(%dma_start3A_189 : memref<112xi32, #tpu.memory_space<vmem>>) semaphore(%arg9 : memref<!tpu.dma_semaphore, #tpu.memory_space<semaphore_mem>>) {add = true}
    %dma_start3A_192 = arith.constant 19 : i32
    %dma_start3A_193 = arith.constant 19 : i32
    %dma_start3A_194 = arith.constant 0 : i32
    %dma_start3A_195 = tpu.memref_slice %arg6[%dma_start3A_192, %dma_start3A_194] : memref<28x112xf32, #tpu.memory_space<vmem>> -> memref<1x112xf32, #tpu.memory_space<vmem>>
    %dma_start3A_196 = tpu.memref_squeeze %dma_start3A_195 : memref<1x112xf32, #tpu.memory_space<vmem>> -> memref<112xf32, #tpu.memory_space<vmem>>
    %dma_start3A_197 = arith.constant 0 : i32
    %dma_start3A_198 = tpu.memref_slice %arg5[%dma_start3A_193, %dma_start3A_197] : memref<28x112xi32, #tpu.memory_space<vmem>> -> memref<1x112xi32, #tpu.memory_space<vmem>>
    %dma_start3A_199 = tpu.memref_squeeze %dma_start3A_198 : memref<1x112xi32, #tpu.memory_space<vmem>> -> memref<112xi32, #tpu.memory_space<vmem>>
    %dma_start3A_200 = arith.constant 0 : i32
    %dma_start3A_201 = tpu.memref_slice %arg8[%dma_start3A_200] : memref<1024xf32, #tpu.memory_space<vmem_shared>> -> memref<1024xf32, #tpu.memory_space<vmem_shared>>
    tpu.enqueue_indirect_dma source(%dma_start3A_196 : memref<112xf32, #tpu.memory_space<vmem>>) target(%dma_start3A_201 : memref<1024xf32, #tpu.memory_space<vmem_shared>>) offsets(%dma_start3A_199 : memref<112xi32, #tpu.memory_space<vmem>>) semaphore(%arg9 : memref<!tpu.dma_semaphore, #tpu.memory_space<semaphore_mem>>) {add = true}
    %dma_start3A_202 = arith.constant 20 : i32
    %dma_start3A_203 = arith.constant 20 : i32
    %dma_start3A_204 = arith.constant 0 : i32
    %dma_start3A_205 = tpu.memref_slice %arg6[%dma_start3A_202, %dma_start3A_204] : memref<28x112xf32, #tpu.memory_space<vmem>> -> memref<1x112xf32, #tpu.memory_space<vmem>>
    %dma_start3A_206 = tpu.memref_squeeze %dma_start3A_205 : memref<1x112xf32, #tpu.memory_space<vmem>> -> memref<112xf32, #tpu.memory_space<vmem>>
    %dma_start3A_207 = arith.constant 0 : i32
    %dma_start3A_208 = tpu.memref_slice %arg5[%dma_start3A_203, %dma_start3A_207] : memref<28x112xi32, #tpu.memory_space<vmem>> -> memref<1x112xi32, #tpu.memory_space<vmem>>
    %dma_start3A_209 = tpu.memref_squeeze %dma_start3A_208 : memref<1x112xi32, #tpu.memory_space<vmem>> -> memref<112xi32, #tpu.memory_space<vmem>>
    %dma_start3A_210 = arith.constant 0 : i32
    %dma_start3A_211 = tpu.memref_slice %arg8[%dma_start3A_210] : memref<1024xf32, #tpu.memory_space<vmem_shared>> -> memref<1024xf32, #tpu.memory_space<vmem_shared>>
    tpu.enqueue_indirect_dma source(%dma_start3A_206 : memref<112xf32, #tpu.memory_space<vmem>>) target(%dma_start3A_211 : memref<1024xf32, #tpu.memory_space<vmem_shared>>) offsets(%dma_start3A_209 : memref<112xi32, #tpu.memory_space<vmem>>) semaphore(%arg9 : memref<!tpu.dma_semaphore, #tpu.memory_space<semaphore_mem>>) {add = true}
    %dma_start3A_212 = arith.constant 21 : i32
    %dma_start3A_213 = arith.constant 21 : i32
    %dma_start3A_214 = arith.constant 0 : i32
    %dma_start3A_215 = tpu.memref_slice %arg6[%dma_start3A_212, %dma_start3A_214] : memref<28x112xf32, #tpu.memory_space<vmem>> -> memref<1x112xf32, #tpu.memory_space<vmem>>
    %dma_start3A_216 = tpu.memref_squeeze %dma_start3A_215 : memref<1x112xf32, #tpu.memory_space<vmem>> -> memref<112xf32, #tpu.memory_space<vmem>>
    %dma_start3A_217 = arith.constant 0 : i32
    %dma_start3A_218 = tpu.memref_slice %arg5[%dma_start3A_213, %dma_start3A_217] : memref<28x112xi32, #tpu.memory_space<vmem>> -> memref<1x112xi32, #tpu.memory_space<vmem>>
    %dma_start3A_219 = tpu.memref_squeeze %dma_start3A_218 : memref<1x112xi32, #tpu.memory_space<vmem>> -> memref<112xi32, #tpu.memory_space<vmem>>
    %dma_start3A_220 = arith.constant 0 : i32
    %dma_start3A_221 = tpu.memref_slice %arg8[%dma_start3A_220] : memref<1024xf32, #tpu.memory_space<vmem_shared>> -> memref<1024xf32, #tpu.memory_space<vmem_shared>>
    tpu.enqueue_indirect_dma source(%dma_start3A_216 : memref<112xf32, #tpu.memory_space<vmem>>) target(%dma_start3A_221 : memref<1024xf32, #tpu.memory_space<vmem_shared>>) offsets(%dma_start3A_219 : memref<112xi32, #tpu.memory_space<vmem>>) semaphore(%arg9 : memref<!tpu.dma_semaphore, #tpu.memory_space<semaphore_mem>>) {add = true}
    %dma_start3A_222 = arith.constant 22 : i32
    %dma_start3A_223 = arith.constant 22 : i32
    %dma_start3A_224 = arith.constant 0 : i32
    %dma_start3A_225 = tpu.memref_slice %arg6[%dma_start3A_222, %dma_start3A_224] : memref<28x112xf32, #tpu.memory_space<vmem>> -> memref<1x112xf32, #tpu.memory_space<vmem>>
    %dma_start3A_226 = tpu.memref_squeeze %dma_start3A_225 : memref<1x112xf32, #tpu.memory_space<vmem>> -> memref<112xf32, #tpu.memory_space<vmem>>
    %dma_start3A_227 = arith.constant 0 : i32
    %dma_start3A_228 = tpu.memref_slice %arg5[%dma_start3A_223, %dma_start3A_227] : memref<28x112xi32, #tpu.memory_space<vmem>> -> memref<1x112xi32, #tpu.memory_space<vmem>>
    %dma_start3A_229 = tpu.memref_squeeze %dma_start3A_228 : memref<1x112xi32, #tpu.memory_space<vmem>> -> memref<112xi32, #tpu.memory_space<vmem>>
    %dma_start3A_230 = arith.constant 0 : i32
    %dma_start3A_231 = tpu.memref_slice %arg8[%dma_start3A_230] : memref<1024xf32, #tpu.memory_space<vmem_shared>> -> memref<1024xf32, #tpu.memory_space<vmem_shared>>
    tpu.enqueue_indirect_dma source(%dma_start3A_226 : memref<112xf32, #tpu.memory_space<vmem>>) target(%dma_start3A_231 : memref<1024xf32, #tpu.memory_space<vmem_shared>>) offsets(%dma_start3A_229 : memref<112xi32, #tpu.memory_space<vmem>>) semaphore(%arg9 : memref<!tpu.dma_semaphore, #tpu.memory_space<semaphore_mem>>) {add = true}
    %dma_start3A_232 = arith.constant 23 : i32
    %dma_start3A_233 = arith.constant 23 : i32
    %dma_start3A_234 = arith.constant 0 : i32
    %dma_start3A_235 = tpu.memref_slice %arg6[%dma_start3A_232, %dma_start3A_234] : memref<28x112xf32, #tpu.memory_space<vmem>> -> memref<1x112xf32, #tpu.memory_space<vmem>>
    %dma_start3A_236 = tpu.memref_squeeze %dma_start3A_235 : memref<1x112xf32, #tpu.memory_space<vmem>> -> memref<112xf32, #tpu.memory_space<vmem>>
    %dma_start3A_237 = arith.constant 0 : i32
    %dma_start3A_238 = tpu.memref_slice %arg5[%dma_start3A_233, %dma_start3A_237] : memref<28x112xi32, #tpu.memory_space<vmem>> -> memref<1x112xi32, #tpu.memory_space<vmem>>
    %dma_start3A_239 = tpu.memref_squeeze %dma_start3A_238 : memref<1x112xi32, #tpu.memory_space<vmem>> -> memref<112xi32, #tpu.memory_space<vmem>>
    %dma_start3A_240 = arith.constant 0 : i32
    %dma_start3A_241 = tpu.memref_slice %arg8[%dma_start3A_240] : memref<1024xf32, #tpu.memory_space<vmem_shared>> -> memref<1024xf32, #tpu.memory_space<vmem_shared>>
    tpu.enqueue_indirect_dma source(%dma_start3A_236 : memref<112xf32, #tpu.memory_space<vmem>>) target(%dma_start3A_241 : memref<1024xf32, #tpu.memory_space<vmem_shared>>) offsets(%dma_start3A_239 : memref<112xi32, #tpu.memory_space<vmem>>) semaphore(%arg9 : memref<!tpu.dma_semaphore, #tpu.memory_space<semaphore_mem>>) {add = true}
    %dma_start3A_242 = arith.constant 24 : i32
    %dma_start3A_243 = arith.constant 24 : i32
    %dma_start3A_244 = arith.constant 0 : i32
    %dma_start3A_245 = tpu.memref_slice %arg6[%dma_start3A_242, %dma_start3A_244] : memref<28x112xf32, #tpu.memory_space<vmem>> -> memref<1x112xf32, #tpu.memory_space<vmem>>
    %dma_start3A_246 = tpu.memref_squeeze %dma_start3A_245 : memref<1x112xf32, #tpu.memory_space<vmem>> -> memref<112xf32, #tpu.memory_space<vmem>>
    %dma_start3A_247 = arith.constant 0 : i32
    %dma_start3A_248 = tpu.memref_slice %arg5[%dma_start3A_243, %dma_start3A_247] : memref<28x112xi32, #tpu.memory_space<vmem>> -> memref<1x112xi32, #tpu.memory_space<vmem>>
    %dma_start3A_249 = tpu.memref_squeeze %dma_start3A_248 : memref<1x112xi32, #tpu.memory_space<vmem>> -> memref<112xi32, #tpu.memory_space<vmem>>
    %dma_start3A_250 = arith.constant 0 : i32
    %dma_start3A_251 = tpu.memref_slice %arg8[%dma_start3A_250] : memref<1024xf32, #tpu.memory_space<vmem_shared>> -> memref<1024xf32, #tpu.memory_space<vmem_shared>>
    tpu.enqueue_indirect_dma source(%dma_start3A_246 : memref<112xf32, #tpu.memory_space<vmem>>) target(%dma_start3A_251 : memref<1024xf32, #tpu.memory_space<vmem_shared>>) offsets(%dma_start3A_249 : memref<112xi32, #tpu.memory_space<vmem>>) semaphore(%arg9 : memref<!tpu.dma_semaphore, #tpu.memory_space<semaphore_mem>>) {add = true}
    %dma_start3A_252 = arith.constant 25 : i32
    %dma_start3A_253 = arith.constant 25 : i32
    %dma_start3A_254 = arith.constant 0 : i32
    %dma_start3A_255 = tpu.memref_slice %arg6[%dma_start3A_252, %dma_start3A_254] : memref<28x112xf32, #tpu.memory_space<vmem>> -> memref<1x112xf32, #tpu.memory_space<vmem>>
    %dma_start3A_256 = tpu.memref_squeeze %dma_start3A_255 : memref<1x112xf32, #tpu.memory_space<vmem>> -> memref<112xf32, #tpu.memory_space<vmem>>
    %dma_start3A_257 = arith.constant 0 : i32
    %dma_start3A_258 = tpu.memref_slice %arg5[%dma_start3A_253, %dma_start3A_257] : memref<28x112xi32, #tpu.memory_space<vmem>> -> memref<1x112xi32, #tpu.memory_space<vmem>>
    %dma_start3A_259 = tpu.memref_squeeze %dma_start3A_258 : memref<1x112xi32, #tpu.memory_space<vmem>> -> memref<112xi32, #tpu.memory_space<vmem>>
    %dma_start3A_260 = arith.constant 0 : i32
    %dma_start3A_261 = tpu.memref_slice %arg8[%dma_start3A_260] : memref<1024xf32, #tpu.memory_space<vmem_shared>> -> memref<1024xf32, #tpu.memory_space<vmem_shared>>
    tpu.enqueue_indirect_dma source(%dma_start3A_256 : memref<112xf32, #tpu.memory_space<vmem>>) target(%dma_start3A_261 : memref<1024xf32, #tpu.memory_space<vmem_shared>>) offsets(%dma_start3A_259 : memref<112xi32, #tpu.memory_space<vmem>>) semaphore(%arg9 : memref<!tpu.dma_semaphore, #tpu.memory_space<semaphore_mem>>) {add = true}
    %dma_start3A_262 = arith.constant 26 : i32
    %dma_start3A_263 = arith.constant 26 : i32
    %dma_start3A_264 = arith.constant 0 : i32
    %dma_start3A_265 = tpu.memref_slice %arg6[%dma_start3A_262, %dma_start3A_264] : memref<28x112xf32, #tpu.memory_space<vmem>> -> memref<1x112xf32, #tpu.memory_space<vmem>>
    %dma_start3A_266 = tpu.memref_squeeze %dma_start3A_265 : memref<1x112xf32, #tpu.memory_space<vmem>> -> memref<112xf32, #tpu.memory_space<vmem>>
    %dma_start3A_267 = arith.constant 0 : i32
    %dma_start3A_268 = tpu.memref_slice %arg5[%dma_start3A_263, %dma_start3A_267] : memref<28x112xi32, #tpu.memory_space<vmem>> -> memref<1x112xi32, #tpu.memory_space<vmem>>
    %dma_start3A_269 = tpu.memref_squeeze %dma_start3A_268 : memref<1x112xi32, #tpu.memory_space<vmem>> -> memref<112xi32, #tpu.memory_space<vmem>>
    %dma_start3A_270 = arith.constant 0 : i32
    %dma_start3A_271 = tpu.memref_slice %arg8[%dma_start3A_270] : memref<1024xf32, #tpu.memory_space<vmem_shared>> -> memref<1024xf32, #tpu.memory_space<vmem_shared>>
    tpu.enqueue_indirect_dma source(%dma_start3A_266 : memref<112xf32, #tpu.memory_space<vmem>>) target(%dma_start3A_271 : memref<1024xf32, #tpu.memory_space<vmem_shared>>) offsets(%dma_start3A_269 : memref<112xi32, #tpu.memory_space<vmem>>) semaphore(%arg9 : memref<!tpu.dma_semaphore, #tpu.memory_space<semaphore_mem>>) {add = true}
    %dma_start3A_272 = arith.constant 27 : i32
    %dma_start3A_273 = arith.constant 27 : i32
    %dma_start3A_274 = arith.constant 0 : i32
    %dma_start3A_275 = tpu.memref_slice %arg6[%dma_start3A_272, %dma_start3A_274] : memref<28x112xf32, #tpu.memory_space<vmem>> -> memref<1x112xf32, #tpu.memory_space<vmem>>
    %dma_start3A_276 = tpu.memref_squeeze %dma_start3A_275 : memref<1x112xf32, #tpu.memory_space<vmem>> -> memref<112xf32, #tpu.memory_space<vmem>>
    %dma_start3A_277 = arith.constant 0 : i32
    %dma_start3A_278 = tpu.memref_slice %arg5[%dma_start3A_273, %dma_start3A_277] : memref<28x112xi32, #tpu.memory_space<vmem>> -> memref<1x112xi32, #tpu.memory_space<vmem>>
    %dma_start3A_279 = tpu.memref_squeeze %dma_start3A_278 : memref<1x112xi32, #tpu.memory_space<vmem>> -> memref<112xi32, #tpu.memory_space<vmem>>
    %dma_start3A_280 = arith.constant 0 : i32
    %dma_start3A_281 = tpu.memref_slice %arg8[%dma_start3A_280] : memref<1024xf32, #tpu.memory_space<vmem_shared>> -> memref<1024xf32, #tpu.memory_space<vmem_shared>>
    tpu.enqueue_indirect_dma source(%dma_start3A_276 : memref<112xf32, #tpu.memory_space<vmem>>) target(%dma_start3A_281 : memref<1024xf32, #tpu.memory_space<vmem_shared>>) offsets(%dma_start3A_279 : memref<112xi32, #tpu.memory_space<vmem>>) semaphore(%arg9 : memref<!tpu.dma_semaphore, #tpu.memory_space<semaphore_mem>>) {add = true}
    %dma_wait3A = arith.constant 0 : i32
    %dma_wait3A_282 = arith.constant 0 : i32
    %dma_wait3A_283 = arith.constant 0 : i32
    %dma_wait3A_284 = tpu.memref_slice %arg6[%dma_wait3A, %dma_wait3A_283] : memref<28x112xf32, #tpu.memory_space<vmem>> -> memref<1x112xf32, #tpu.memory_space<vmem>>
    %dma_wait3A_285 = tpu.memref_squeeze %dma_wait3A_284 : memref<1x112xf32, #tpu.memory_space<vmem>> -> memref<112xf32, #tpu.memory_space<vmem>>
    %dma_wait3A_286 = arith.constant 0 : i32
    %dma_wait3A_287 = tpu.memref_slice %arg5[%dma_wait3A_282, %dma_wait3A_286] : memref<28x112xi32, #tpu.memory_space<vmem>> -> memref<1x112xi32, #tpu.memory_space<vmem>>
    %dma_wait3A_288 = tpu.memref_squeeze %dma_wait3A_287 : memref<1x112xi32, #tpu.memory_space<vmem>> -> memref<112xi32, #tpu.memory_space<vmem>>
    %dma_wait3A_289 = arith.constant 0 : i32
    %dma_wait3A_290 = tpu.memref_slice %arg8[%dma_wait3A_289] : memref<1024xf32, #tpu.memory_space<vmem_shared>> -> memref<1024xf32, #tpu.memory_space<vmem_shared>>
    tpu.wait_indirect_dma semaphore(%arg9 : memref<!tpu.dma_semaphore, #tpu.memory_space<semaphore_mem>>) src(%dma_wait3A_285 : memref<112xf32, #tpu.memory_space<vmem>>) dst(%dma_wait3A_290 : memref<1024xf32, #tpu.memory_space<vmem_shared>>)
    %dma_wait3A_291 = arith.constant 1 : i32
    %dma_wait3A_292 = arith.constant 1 : i32
    %dma_wait3A_293 = arith.constant 0 : i32
    %dma_wait3A_294 = tpu.memref_slice %arg6[%dma_wait3A_291, %dma_wait3A_293] : memref<28x112xf32, #tpu.memory_space<vmem>> -> memref<1x112xf32, #tpu.memory_space<vmem>>
    %dma_wait3A_295 = tpu.memref_squeeze %dma_wait3A_294 : memref<1x112xf32, #tpu.memory_space<vmem>> -> memref<112xf32, #tpu.memory_space<vmem>>
    %dma_wait3A_296 = arith.constant 0 : i32
    %dma_wait3A_297 = tpu.memref_slice %arg5[%dma_wait3A_292, %dma_wait3A_296] : memref<28x112xi32, #tpu.memory_space<vmem>> -> memref<1x112xi32, #tpu.memory_space<vmem>>
    %dma_wait3A_298 = tpu.memref_squeeze %dma_wait3A_297 : memref<1x112xi32, #tpu.memory_space<vmem>> -> memref<112xi32, #tpu.memory_space<vmem>>
    %dma_wait3A_299 = arith.constant 0 : i32
    %dma_wait3A_300 = tpu.memref_slice %arg8[%dma_wait3A_299] : memref<1024xf32, #tpu.memory_space<vmem_shared>> -> memref<1024xf32, #tpu.memory_space<vmem_shared>>
    tpu.wait_indirect_dma semaphore(%arg9 : memref<!tpu.dma_semaphore, #tpu.memory_space<semaphore_mem>>) src(%dma_wait3A_295 : memref<112xf32, #tpu.memory_space<vmem>>) dst(%dma_wait3A_300 : memref<1024xf32, #tpu.memory_space<vmem_shared>>)
    %dma_wait3A_301 = arith.constant 2 : i32
    %dma_wait3A_302 = arith.constant 2 : i32
    %dma_wait3A_303 = arith.constant 0 : i32
    %dma_wait3A_304 = tpu.memref_slice %arg6[%dma_wait3A_301, %dma_wait3A_303] : memref<28x112xf32, #tpu.memory_space<vmem>> -> memref<1x112xf32, #tpu.memory_space<vmem>>
    %dma_wait3A_305 = tpu.memref_squeeze %dma_wait3A_304 : memref<1x112xf32, #tpu.memory_space<vmem>> -> memref<112xf32, #tpu.memory_space<vmem>>
    %dma_wait3A_306 = arith.constant 0 : i32
    %dma_wait3A_307 = tpu.memref_slice %arg5[%dma_wait3A_302, %dma_wait3A_306] : memref<28x112xi32, #tpu.memory_space<vmem>> -> memref<1x112xi32, #tpu.memory_space<vmem>>
    %dma_wait3A_308 = tpu.memref_squeeze %dma_wait3A_307 : memref<1x112xi32, #tpu.memory_space<vmem>> -> memref<112xi32, #tpu.memory_space<vmem>>
    %dma_wait3A_309 = arith.constant 0 : i32
    %dma_wait3A_310 = tpu.memref_slice %arg8[%dma_wait3A_309] : memref<1024xf32, #tpu.memory_space<vmem_shared>> -> memref<1024xf32, #tpu.memory_space<vmem_shared>>
    tpu.wait_indirect_dma semaphore(%arg9 : memref<!tpu.dma_semaphore, #tpu.memory_space<semaphore_mem>>) src(%dma_wait3A_305 : memref<112xf32, #tpu.memory_space<vmem>>) dst(%dma_wait3A_310 : memref<1024xf32, #tpu.memory_space<vmem_shared>>)
    %dma_wait3A_311 = arith.constant 3 : i32
    %dma_wait3A_312 = arith.constant 3 : i32
    %dma_wait3A_313 = arith.constant 0 : i32
    %dma_wait3A_314 = tpu.memref_slice %arg6[%dma_wait3A_311, %dma_wait3A_313] : memref<28x112xf32, #tpu.memory_space<vmem>> -> memref<1x112xf32, #tpu.memory_space<vmem>>
    %dma_wait3A_315 = tpu.memref_squeeze %dma_wait3A_314 : memref<1x112xf32, #tpu.memory_space<vmem>> -> memref<112xf32, #tpu.memory_space<vmem>>
    %dma_wait3A_316 = arith.constant 0 : i32
    %dma_wait3A_317 = tpu.memref_slice %arg5[%dma_wait3A_312, %dma_wait3A_316] : memref<28x112xi32, #tpu.memory_space<vmem>> -> memref<1x112xi32, #tpu.memory_space<vmem>>
    %dma_wait3A_318 = tpu.memref_squeeze %dma_wait3A_317 : memref<1x112xi32, #tpu.memory_space<vmem>> -> memref<112xi32, #tpu.memory_space<vmem>>
    %dma_wait3A_319 = arith.constant 0 : i32
    %dma_wait3A_320 = tpu.memref_slice %arg8[%dma_wait3A_319] : memref<1024xf32, #tpu.memory_space<vmem_shared>> -> memref<1024xf32, #tpu.memory_space<vmem_shared>>
    tpu.wait_indirect_dma semaphore(%arg9 : memref<!tpu.dma_semaphore, #tpu.memory_space<semaphore_mem>>) src(%dma_wait3A_315 : memref<112xf32, #tpu.memory_space<vmem>>) dst(%dma_wait3A_320 : memref<1024xf32, #tpu.memory_space<vmem_shared>>)
    %dma_wait3A_321 = arith.constant 4 : i32
    %dma_wait3A_322 = arith.constant 4 : i32
    %dma_wait3A_323 = arith.constant 0 : i32
    %dma_wait3A_324 = tpu.memref_slice %arg6[%dma_wait3A_321, %dma_wait3A_323] : memref<28x112xf32, #tpu.memory_space<vmem>> -> memref<1x112xf32, #tpu.memory_space<vmem>>
    %dma_wait3A_325 = tpu.memref_squeeze %dma_wait3A_324 : memref<1x112xf32, #tpu.memory_space<vmem>> -> memref<112xf32, #tpu.memory_space<vmem>>
    %dma_wait3A_326 = arith.constant 0 : i32
    %dma_wait3A_327 = tpu.memref_slice %arg5[%dma_wait3A_322, %dma_wait3A_326] : memref<28x112xi32, #tpu.memory_space<vmem>> -> memref<1x112xi32, #tpu.memory_space<vmem>>
    %dma_wait3A_328 = tpu.memref_squeeze %dma_wait3A_327 : memref<1x112xi32, #tpu.memory_space<vmem>> -> memref<112xi32, #tpu.memory_space<vmem>>
    %dma_wait3A_329 = arith.constant 0 : i32
    %dma_wait3A_330 = tpu.memref_slice %arg8[%dma_wait3A_329] : memref<1024xf32, #tpu.memory_space<vmem_shared>> -> memref<1024xf32, #tpu.memory_space<vmem_shared>>
    tpu.wait_indirect_dma semaphore(%arg9 : memref<!tpu.dma_semaphore, #tpu.memory_space<semaphore_mem>>) src(%dma_wait3A_325 : memref<112xf32, #tpu.memory_space<vmem>>) dst(%dma_wait3A_330 : memref<1024xf32, #tpu.memory_space<vmem_shared>>)
    %dma_wait3A_331 = arith.constant 5 : i32
    %dma_wait3A_332 = arith.constant 5 : i32
    %dma_wait3A_333 = arith.constant 0 : i32
    %dma_wait3A_334 = tpu.memref_slice %arg6[%dma_wait3A_331, %dma_wait3A_333] : memref<28x112xf32, #tpu.memory_space<vmem>> -> memref<1x112xf32, #tpu.memory_space<vmem>>
    %dma_wait3A_335 = tpu.memref_squeeze %dma_wait3A_334 : memref<1x112xf32, #tpu.memory_space<vmem>> -> memref<112xf32, #tpu.memory_space<vmem>>
    %dma_wait3A_336 = arith.constant 0 : i32
    %dma_wait3A_337 = tpu.memref_slice %arg5[%dma_wait3A_332, %dma_wait3A_336] : memref<28x112xi32, #tpu.memory_space<vmem>> -> memref<1x112xi32, #tpu.memory_space<vmem>>
    %dma_wait3A_338 = tpu.memref_squeeze %dma_wait3A_337 : memref<1x112xi32, #tpu.memory_space<vmem>> -> memref<112xi32, #tpu.memory_space<vmem>>
    %dma_wait3A_339 = arith.constant 0 : i32
    %dma_wait3A_340 = tpu.memref_slice %arg8[%dma_wait3A_339] : memref<1024xf32, #tpu.memory_space<vmem_shared>> -> memref<1024xf32, #tpu.memory_space<vmem_shared>>
    tpu.wait_indirect_dma semaphore(%arg9 : memref<!tpu.dma_semaphore, #tpu.memory_space<semaphore_mem>>) src(%dma_wait3A_335 : memref<112xf32, #tpu.memory_space<vmem>>) dst(%dma_wait3A_340 : memref<1024xf32, #tpu.memory_space<vmem_shared>>)
    %dma_wait3A_341 = arith.constant 6 : i32
    %dma_wait3A_342 = arith.constant 6 : i32
    %dma_wait3A_343 = arith.constant 0 : i32
    %dma_wait3A_344 = tpu.memref_slice %arg6[%dma_wait3A_341, %dma_wait3A_343] : memref<28x112xf32, #tpu.memory_space<vmem>> -> memref<1x112xf32, #tpu.memory_space<vmem>>
    %dma_wait3A_345 = tpu.memref_squeeze %dma_wait3A_344 : memref<1x112xf32, #tpu.memory_space<vmem>> -> memref<112xf32, #tpu.memory_space<vmem>>
    %dma_wait3A_346 = arith.constant 0 : i32
    %dma_wait3A_347 = tpu.memref_slice %arg5[%dma_wait3A_342, %dma_wait3A_346] : memref<28x112xi32, #tpu.memory_space<vmem>> -> memref<1x112xi32, #tpu.memory_space<vmem>>
    %dma_wait3A_348 = tpu.memref_squeeze %dma_wait3A_347 : memref<1x112xi32, #tpu.memory_space<vmem>> -> memref<112xi32, #tpu.memory_space<vmem>>
    %dma_wait3A_349 = arith.constant 0 : i32
    %dma_wait3A_350 = tpu.memref_slice %arg8[%dma_wait3A_349] : memref<1024xf32, #tpu.memory_space<vmem_shared>> -> memref<1024xf32, #tpu.memory_space<vmem_shared>>
    tpu.wait_indirect_dma semaphore(%arg9 : memref<!tpu.dma_semaphore, #tpu.memory_space<semaphore_mem>>) src(%dma_wait3A_345 : memref<112xf32, #tpu.memory_space<vmem>>) dst(%dma_wait3A_350 : memref<1024xf32, #tpu.memory_space<vmem_shared>>)
    %dma_wait3A_351 = arith.constant 7 : i32
    %dma_wait3A_352 = arith.constant 7 : i32
    %dma_wait3A_353 = arith.constant 0 : i32
    %dma_wait3A_354 = tpu.memref_slice %arg6[%dma_wait3A_351, %dma_wait3A_353] : memref<28x112xf32, #tpu.memory_space<vmem>> -> memref<1x112xf32, #tpu.memory_space<vmem>>
    %dma_wait3A_355 = tpu.memref_squeeze %dma_wait3A_354 : memref<1x112xf32, #tpu.memory_space<vmem>> -> memref<112xf32, #tpu.memory_space<vmem>>
    %dma_wait3A_356 = arith.constant 0 : i32
    %dma_wait3A_357 = tpu.memref_slice %arg5[%dma_wait3A_352, %dma_wait3A_356] : memref<28x112xi32, #tpu.memory_space<vmem>> -> memref<1x112xi32, #tpu.memory_space<vmem>>
    %dma_wait3A_358 = tpu.memref_squeeze %dma_wait3A_357 : memref<1x112xi32, #tpu.memory_space<vmem>> -> memref<112xi32, #tpu.memory_space<vmem>>
    %dma_wait3A_359 = arith.constant 0 : i32
    %dma_wait3A_360 = tpu.memref_slice %arg8[%dma_wait3A_359] : memref<1024xf32, #tpu.memory_space<vmem_shared>> -> memref<1024xf32, #tpu.memory_space<vmem_shared>>
    tpu.wait_indirect_dma semaphore(%arg9 : memref<!tpu.dma_semaphore, #tpu.memory_space<semaphore_mem>>) src(%dma_wait3A_355 : memref<112xf32, #tpu.memory_space<vmem>>) dst(%dma_wait3A_360 : memref<1024xf32, #tpu.memory_space<vmem_shared>>)
    %dma_wait3A_361 = arith.constant 8 : i32
    %dma_wait3A_362 = arith.constant 8 : i32
    %dma_wait3A_363 = arith.constant 0 : i32
    %dma_wait3A_364 = tpu.memref_slice %arg6[%dma_wait3A_361, %dma_wait3A_363] : memref<28x112xf32, #tpu.memory_space<vmem>> -> memref<1x112xf32, #tpu.memory_space<vmem>>
    %dma_wait3A_365 = tpu.memref_squeeze %dma_wait3A_364 : memref<1x112xf32, #tpu.memory_space<vmem>> -> memref<112xf32, #tpu.memory_space<vmem>>
    %dma_wait3A_366 = arith.constant 0 : i32
    %dma_wait3A_367 = tpu.memref_slice %arg5[%dma_wait3A_362, %dma_wait3A_366] : memref<28x112xi32, #tpu.memory_space<vmem>> -> memref<1x112xi32, #tpu.memory_space<vmem>>
    %dma_wait3A_368 = tpu.memref_squeeze %dma_wait3A_367 : memref<1x112xi32, #tpu.memory_space<vmem>> -> memref<112xi32, #tpu.memory_space<vmem>>
    %dma_wait3A_369 = arith.constant 0 : i32
    %dma_wait3A_370 = tpu.memref_slice %arg8[%dma_wait3A_369] : memref<1024xf32, #tpu.memory_space<vmem_shared>> -> memref<1024xf32, #tpu.memory_space<vmem_shared>>
    tpu.wait_indirect_dma semaphore(%arg9 : memref<!tpu.dma_semaphore, #tpu.memory_space<semaphore_mem>>) src(%dma_wait3A_365 : memref<112xf32, #tpu.memory_space<vmem>>) dst(%dma_wait3A_370 : memref<1024xf32, #tpu.memory_space<vmem_shared>>)
    %dma_wait3A_371 = arith.constant 9 : i32
    %dma_wait3A_372 = arith.constant 9 : i32
    %dma_wait3A_373 = arith.constant 0 : i32
    %dma_wait3A_374 = tpu.memref_slice %arg6[%dma_wait3A_371, %dma_wait3A_373] : memref<28x112xf32, #tpu.memory_space<vmem>> -> memref<1x112xf32, #tpu.memory_space<vmem>>
    %dma_wait3A_375 = tpu.memref_squeeze %dma_wait3A_374 : memref<1x112xf32, #tpu.memory_space<vmem>> -> memref<112xf32, #tpu.memory_space<vmem>>
    %dma_wait3A_376 = arith.constant 0 : i32
    %dma_wait3A_377 = tpu.memref_slice %arg5[%dma_wait3A_372, %dma_wait3A_376] : memref<28x112xi32, #tpu.memory_space<vmem>> -> memref<1x112xi32, #tpu.memory_space<vmem>>
    %dma_wait3A_378 = tpu.memref_squeeze %dma_wait3A_377 : memref<1x112xi32, #tpu.memory_space<vmem>> -> memref<112xi32, #tpu.memory_space<vmem>>
    %dma_wait3A_379 = arith.constant 0 : i32
    %dma_wait3A_380 = tpu.memref_slice %arg8[%dma_wait3A_379] : memref<1024xf32, #tpu.memory_space<vmem_shared>> -> memref<1024xf32, #tpu.memory_space<vmem_shared>>
    tpu.wait_indirect_dma semaphore(%arg9 : memref<!tpu.dma_semaphore, #tpu.memory_space<semaphore_mem>>) src(%dma_wait3A_375 : memref<112xf32, #tpu.memory_space<vmem>>) dst(%dma_wait3A_380 : memref<1024xf32, #tpu.memory_space<vmem_shared>>)
    %dma_wait3A_381 = arith.constant 10 : i32
    %dma_wait3A_382 = arith.constant 10 : i32
    %dma_wait3A_383 = arith.constant 0 : i32
    %dma_wait3A_384 = tpu.memref_slice %arg6[%dma_wait3A_381, %dma_wait3A_383] : memref<28x112xf32, #tpu.memory_space<vmem>> -> memref<1x112xf32, #tpu.memory_space<vmem>>
    %dma_wait3A_385 = tpu.memref_squeeze %dma_wait3A_384 : memref<1x112xf32, #tpu.memory_space<vmem>> -> memref<112xf32, #tpu.memory_space<vmem>>
    %dma_wait3A_386 = arith.constant 0 : i32
    %dma_wait3A_387 = tpu.memref_slice %arg5[%dma_wait3A_382, %dma_wait3A_386] : memref<28x112xi32, #tpu.memory_space<vmem>> -> memref<1x112xi32, #tpu.memory_space<vmem>>
    %dma_wait3A_388 = tpu.memref_squeeze %dma_wait3A_387 : memref<1x112xi32, #tpu.memory_space<vmem>> -> memref<112xi32, #tpu.memory_space<vmem>>
    %dma_wait3A_389 = arith.constant 0 : i32
    %dma_wait3A_390 = tpu.memref_slice %arg8[%dma_wait3A_389] : memref<1024xf32, #tpu.memory_space<vmem_shared>> -> memref<1024xf32, #tpu.memory_space<vmem_shared>>
    tpu.wait_indirect_dma semaphore(%arg9 : memref<!tpu.dma_semaphore, #tpu.memory_space<semaphore_mem>>) src(%dma_wait3A_385 : memref<112xf32, #tpu.memory_space<vmem>>) dst(%dma_wait3A_390 : memref<1024xf32, #tpu.memory_space<vmem_shared>>)
    %dma_wait3A_391 = arith.constant 11 : i32
    %dma_wait3A_392 = arith.constant 11 : i32
    %dma_wait3A_393 = arith.constant 0 : i32
    %dma_wait3A_394 = tpu.memref_slice %arg6[%dma_wait3A_391, %dma_wait3A_393] : memref<28x112xf32, #tpu.memory_space<vmem>> -> memref<1x112xf32, #tpu.memory_space<vmem>>
    %dma_wait3A_395 = tpu.memref_squeeze %dma_wait3A_394 : memref<1x112xf32, #tpu.memory_space<vmem>> -> memref<112xf32, #tpu.memory_space<vmem>>
    %dma_wait3A_396 = arith.constant 0 : i32
    %dma_wait3A_397 = tpu.memref_slice %arg5[%dma_wait3A_392, %dma_wait3A_396] : memref<28x112xi32, #tpu.memory_space<vmem>> -> memref<1x112xi32, #tpu.memory_space<vmem>>
    %dma_wait3A_398 = tpu.memref_squeeze %dma_wait3A_397 : memref<1x112xi32, #tpu.memory_space<vmem>> -> memref<112xi32, #tpu.memory_space<vmem>>
    %dma_wait3A_399 = arith.constant 0 : i32
    %dma_wait3A_400 = tpu.memref_slice %arg8[%dma_wait3A_399] : memref<1024xf32, #tpu.memory_space<vmem_shared>> -> memref<1024xf32, #tpu.memory_space<vmem_shared>>
    tpu.wait_indirect_dma semaphore(%arg9 : memref<!tpu.dma_semaphore, #tpu.memory_space<semaphore_mem>>) src(%dma_wait3A_395 : memref<112xf32, #tpu.memory_space<vmem>>) dst(%dma_wait3A_400 : memref<1024xf32, #tpu.memory_space<vmem_shared>>)
    %dma_wait3A_401 = arith.constant 12 : i32
    %dma_wait3A_402 = arith.constant 12 : i32
    %dma_wait3A_403 = arith.constant 0 : i32
    %dma_wait3A_404 = tpu.memref_slice %arg6[%dma_wait3A_401, %dma_wait3A_403] : memref<28x112xf32, #tpu.memory_space<vmem>> -> memref<1x112xf32, #tpu.memory_space<vmem>>
    %dma_wait3A_405 = tpu.memref_squeeze %dma_wait3A_404 : memref<1x112xf32, #tpu.memory_space<vmem>> -> memref<112xf32, #tpu.memory_space<vmem>>
    %dma_wait3A_406 = arith.constant 0 : i32
    %dma_wait3A_407 = tpu.memref_slice %arg5[%dma_wait3A_402, %dma_wait3A_406] : memref<28x112xi32, #tpu.memory_space<vmem>> -> memref<1x112xi32, #tpu.memory_space<vmem>>
    %dma_wait3A_408 = tpu.memref_squeeze %dma_wait3A_407 : memref<1x112xi32, #tpu.memory_space<vmem>> -> memref<112xi32, #tpu.memory_space<vmem>>
    %dma_wait3A_409 = arith.constant 0 : i32
    %dma_wait3A_410 = tpu.memref_slice %arg8[%dma_wait3A_409] : memref<1024xf32, #tpu.memory_space<vmem_shared>> -> memref<1024xf32, #tpu.memory_space<vmem_shared>>
    tpu.wait_indirect_dma semaphore(%arg9 : memref<!tpu.dma_semaphore, #tpu.memory_space<semaphore_mem>>) src(%dma_wait3A_405 : memref<112xf32, #tpu.memory_space<vmem>>) dst(%dma_wait3A_410 : memref<1024xf32, #tpu.memory_space<vmem_shared>>)
    %dma_wait3A_411 = arith.constant 13 : i32
    %dma_wait3A_412 = arith.constant 13 : i32
    %dma_wait3A_413 = arith.constant 0 : i32
    %dma_wait3A_414 = tpu.memref_slice %arg6[%dma_wait3A_411, %dma_wait3A_413] : memref<28x112xf32, #tpu.memory_space<vmem>> -> memref<1x112xf32, #tpu.memory_space<vmem>>
    %dma_wait3A_415 = tpu.memref_squeeze %dma_wait3A_414 : memref<1x112xf32, #tpu.memory_space<vmem>> -> memref<112xf32, #tpu.memory_space<vmem>>
    %dma_wait3A_416 = arith.constant 0 : i32
    %dma_wait3A_417 = tpu.memref_slice %arg5[%dma_wait3A_412, %dma_wait3A_416] : memref<28x112xi32, #tpu.memory_space<vmem>> -> memref<1x112xi32, #tpu.memory_space<vmem>>
    %dma_wait3A_418 = tpu.memref_squeeze %dma_wait3A_417 : memref<1x112xi32, #tpu.memory_space<vmem>> -> memref<112xi32, #tpu.memory_space<vmem>>
    %dma_wait3A_419 = arith.constant 0 : i32
    %dma_wait3A_420 = tpu.memref_slice %arg8[%dma_wait3A_419] : memref<1024xf32, #tpu.memory_space<vmem_shared>> -> memref<1024xf32, #tpu.memory_space<vmem_shared>>
    tpu.wait_indirect_dma semaphore(%arg9 : memref<!tpu.dma_semaphore, #tpu.memory_space<semaphore_mem>>) src(%dma_wait3A_415 : memref<112xf32, #tpu.memory_space<vmem>>) dst(%dma_wait3A_420 : memref<1024xf32, #tpu.memory_space<vmem_shared>>)
    %dma_wait3A_421 = arith.constant 14 : i32
    %dma_wait3A_422 = arith.constant 14 : i32
    %dma_wait3A_423 = arith.constant 0 : i32
    %dma_wait3A_424 = tpu.memref_slice %arg6[%dma_wait3A_421, %dma_wait3A_423] : memref<28x112xf32, #tpu.memory_space<vmem>> -> memref<1x112xf32, #tpu.memory_space<vmem>>
    %dma_wait3A_425 = tpu.memref_squeeze %dma_wait3A_424 : memref<1x112xf32, #tpu.memory_space<vmem>> -> memref<112xf32, #tpu.memory_space<vmem>>
    %dma_wait3A_426 = arith.constant 0 : i32
    %dma_wait3A_427 = tpu.memref_slice %arg5[%dma_wait3A_422, %dma_wait3A_426] : memref<28x112xi32, #tpu.memory_space<vmem>> -> memref<1x112xi32, #tpu.memory_space<vmem>>
    %dma_wait3A_428 = tpu.memref_squeeze %dma_wait3A_427 : memref<1x112xi32, #tpu.memory_space<vmem>> -> memref<112xi32, #tpu.memory_space<vmem>>
    %dma_wait3A_429 = arith.constant 0 : i32
    %dma_wait3A_430 = tpu.memref_slice %arg8[%dma_wait3A_429] : memref<1024xf32, #tpu.memory_space<vmem_shared>> -> memref<1024xf32, #tpu.memory_space<vmem_shared>>
    tpu.wait_indirect_dma semaphore(%arg9 : memref<!tpu.dma_semaphore, #tpu.memory_space<semaphore_mem>>) src(%dma_wait3A_425 : memref<112xf32, #tpu.memory_space<vmem>>) dst(%dma_wait3A_430 : memref<1024xf32, #tpu.memory_space<vmem_shared>>)
    %dma_wait3A_431 = arith.constant 15 : i32
    %dma_wait3A_432 = arith.constant 15 : i32
    %dma_wait3A_433 = arith.constant 0 : i32
    %dma_wait3A_434 = tpu.memref_slice %arg6[%dma_wait3A_431, %dma_wait3A_433] : memref<28x112xf32, #tpu.memory_space<vmem>> -> memref<1x112xf32, #tpu.memory_space<vmem>>
    %dma_wait3A_435 = tpu.memref_squeeze %dma_wait3A_434 : memref<1x112xf32, #tpu.memory_space<vmem>> -> memref<112xf32, #tpu.memory_space<vmem>>
    %dma_wait3A_436 = arith.constant 0 : i32
    %dma_wait3A_437 = tpu.memref_slice %arg5[%dma_wait3A_432, %dma_wait3A_436] : memref<28x112xi32, #tpu.memory_space<vmem>> -> memref<1x112xi32, #tpu.memory_space<vmem>>
    %dma_wait3A_438 = tpu.memref_squeeze %dma_wait3A_437 : memref<1x112xi32, #tpu.memory_space<vmem>> -> memref<112xi32, #tpu.memory_space<vmem>>
    %dma_wait3A_439 = arith.constant 0 : i32
    %dma_wait3A_440 = tpu.memref_slice %arg8[%dma_wait3A_439] : memref<1024xf32, #tpu.memory_space<vmem_shared>> -> memref<1024xf32, #tpu.memory_space<vmem_shared>>
    tpu.wait_indirect_dma semaphore(%arg9 : memref<!tpu.dma_semaphore, #tpu.memory_space<semaphore_mem>>) src(%dma_wait3A_435 : memref<112xf32, #tpu.memory_space<vmem>>) dst(%dma_wait3A_440 : memref<1024xf32, #tpu.memory_space<vmem_shared>>)
    %dma_wait3A_441 = arith.constant 16 : i32
    %dma_wait3A_442 = arith.constant 16 : i32
    %dma_wait3A_443 = arith.constant 0 : i32
    %dma_wait3A_444 = tpu.memref_slice %arg6[%dma_wait3A_441, %dma_wait3A_443] : memref<28x112xf32, #tpu.memory_space<vmem>> -> memref<1x112xf32, #tpu.memory_space<vmem>>
    %dma_wait3A_445 = tpu.memref_squeeze %dma_wait3A_444 : memref<1x112xf32, #tpu.memory_space<vmem>> -> memref<112xf32, #tpu.memory_space<vmem>>
    %dma_wait3A_446 = arith.constant 0 : i32
    %dma_wait3A_447 = tpu.memref_slice %arg5[%dma_wait3A_442, %dma_wait3A_446] : memref<28x112xi32, #tpu.memory_space<vmem>> -> memref<1x112xi32, #tpu.memory_space<vmem>>
    %dma_wait3A_448 = tpu.memref_squeeze %dma_wait3A_447 : memref<1x112xi32, #tpu.memory_space<vmem>> -> memref<112xi32, #tpu.memory_space<vmem>>
    %dma_wait3A_449 = arith.constant 0 : i32
    %dma_wait3A_450 = tpu.memref_slice %arg8[%dma_wait3A_449] : memref<1024xf32, #tpu.memory_space<vmem_shared>> -> memref<1024xf32, #tpu.memory_space<vmem_shared>>
    tpu.wait_indirect_dma semaphore(%arg9 : memref<!tpu.dma_semaphore, #tpu.memory_space<semaphore_mem>>) src(%dma_wait3A_445 : memref<112xf32, #tpu.memory_space<vmem>>) dst(%dma_wait3A_450 : memref<1024xf32, #tpu.memory_space<vmem_shared>>)
    %dma_wait3A_451 = arith.constant 17 : i32
    %dma_wait3A_452 = arith.constant 17 : i32
    %dma_wait3A_453 = arith.constant 0 : i32
    %dma_wait3A_454 = tpu.memref_slice %arg6[%dma_wait3A_451, %dma_wait3A_453] : memref<28x112xf32, #tpu.memory_space<vmem>> -> memref<1x112xf32, #tpu.memory_space<vmem>>
    %dma_wait3A_455 = tpu.memref_squeeze %dma_wait3A_454 : memref<1x112xf32, #tpu.memory_space<vmem>> -> memref<112xf32, #tpu.memory_space<vmem>>
    %dma_wait3A_456 = arith.constant 0 : i32
    %dma_wait3A_457 = tpu.memref_slice %arg5[%dma_wait3A_452, %dma_wait3A_456] : memref<28x112xi32, #tpu.memory_space<vmem>> -> memref<1x112xi32, #tpu.memory_space<vmem>>
    %dma_wait3A_458 = tpu.memref_squeeze %dma_wait3A_457 : memref<1x112xi32, #tpu.memory_space<vmem>> -> memref<112xi32, #tpu.memory_space<vmem>>
    %dma_wait3A_459 = arith.constant 0 : i32
    %dma_wait3A_460 = tpu.memref_slice %arg8[%dma_wait3A_459] : memref<1024xf32, #tpu.memory_space<vmem_shared>> -> memref<1024xf32, #tpu.memory_space<vmem_shared>>
    tpu.wait_indirect_dma semaphore(%arg9 : memref<!tpu.dma_semaphore, #tpu.memory_space<semaphore_mem>>) src(%dma_wait3A_455 : memref<112xf32, #tpu.memory_space<vmem>>) dst(%dma_wait3A_460 : memref<1024xf32, #tpu.memory_space<vmem_shared>>)
    %dma_wait3A_461 = arith.constant 18 : i32
    %dma_wait3A_462 = arith.constant 18 : i32
    %dma_wait3A_463 = arith.constant 0 : i32
    %dma_wait3A_464 = tpu.memref_slice %arg6[%dma_wait3A_461, %dma_wait3A_463] : memref<28x112xf32, #tpu.memory_space<vmem>> -> memref<1x112xf32, #tpu.memory_space<vmem>>
    %dma_wait3A_465 = tpu.memref_squeeze %dma_wait3A_464 : memref<1x112xf32, #tpu.memory_space<vmem>> -> memref<112xf32, #tpu.memory_space<vmem>>
    %dma_wait3A_466 = arith.constant 0 : i32
    %dma_wait3A_467 = tpu.memref_slice %arg5[%dma_wait3A_462, %dma_wait3A_466] : memref<28x112xi32, #tpu.memory_space<vmem>> -> memref<1x112xi32, #tpu.memory_space<vmem>>
    %dma_wait3A_468 = tpu.memref_squeeze %dma_wait3A_467 : memref<1x112xi32, #tpu.memory_space<vmem>> -> memref<112xi32, #tpu.memory_space<vmem>>
    %dma_wait3A_469 = arith.constant 0 : i32
    %dma_wait3A_470 = tpu.memref_slice %arg8[%dma_wait3A_469] : memref<1024xf32, #tpu.memory_space<vmem_shared>> -> memref<1024xf32, #tpu.memory_space<vmem_shared>>
    tpu.wait_indirect_dma semaphore(%arg9 : memref<!tpu.dma_semaphore, #tpu.memory_space<semaphore_mem>>) src(%dma_wait3A_465 : memref<112xf32, #tpu.memory_space<vmem>>) dst(%dma_wait3A_470 : memref<1024xf32, #tpu.memory_space<vmem_shared>>)
    %dma_wait3A_471 = arith.constant 19 : i32
    %dma_wait3A_472 = arith.constant 19 : i32
    %dma_wait3A_473 = arith.constant 0 : i32
    %dma_wait3A_474 = tpu.memref_slice %arg6[%dma_wait3A_471, %dma_wait3A_473] : memref<28x112xf32, #tpu.memory_space<vmem>> -> memref<1x112xf32, #tpu.memory_space<vmem>>
    %dma_wait3A_475 = tpu.memref_squeeze %dma_wait3A_474 : memref<1x112xf32, #tpu.memory_space<vmem>> -> memref<112xf32, #tpu.memory_space<vmem>>
    %dma_wait3A_476 = arith.constant 0 : i32
    %dma_wait3A_477 = tpu.memref_slice %arg5[%dma_wait3A_472, %dma_wait3A_476] : memref<28x112xi32, #tpu.memory_space<vmem>> -> memref<1x112xi32, #tpu.memory_space<vmem>>
    %dma_wait3A_478 = tpu.memref_squeeze %dma_wait3A_477 : memref<1x112xi32, #tpu.memory_space<vmem>> -> memref<112xi32, #tpu.memory_space<vmem>>
    %dma_wait3A_479 = arith.constant 0 : i32
    %dma_wait3A_480 = tpu.memref_slice %arg8[%dma_wait3A_479] : memref<1024xf32, #tpu.memory_space<vmem_shared>> -> memref<1024xf32, #tpu.memory_space<vmem_shared>>
    tpu.wait_indirect_dma semaphore(%arg9 : memref<!tpu.dma_semaphore, #tpu.memory_space<semaphore_mem>>) src(%dma_wait3A_475 : memref<112xf32, #tpu.memory_space<vmem>>) dst(%dma_wait3A_480 : memref<1024xf32, #tpu.memory_space<vmem_shared>>)
    %dma_wait3A_481 = arith.constant 20 : i32
    %dma_wait3A_482 = arith.constant 20 : i32
    %dma_wait3A_483 = arith.constant 0 : i32
    %dma_wait3A_484 = tpu.memref_slice %arg6[%dma_wait3A_481, %dma_wait3A_483] : memref<28x112xf32, #tpu.memory_space<vmem>> -> memref<1x112xf32, #tpu.memory_space<vmem>>
    %dma_wait3A_485 = tpu.memref_squeeze %dma_wait3A_484 : memref<1x112xf32, #tpu.memory_space<vmem>> -> memref<112xf32, #tpu.memory_space<vmem>>
    %dma_wait3A_486 = arith.constant 0 : i32
    %dma_wait3A_487 = tpu.memref_slice %arg5[%dma_wait3A_482, %dma_wait3A_486] : memref<28x112xi32, #tpu.memory_space<vmem>> -> memref<1x112xi32, #tpu.memory_space<vmem>>
    %dma_wait3A_488 = tpu.memref_squeeze %dma_wait3A_487 : memref<1x112xi32, #tpu.memory_space<vmem>> -> memref<112xi32, #tpu.memory_space<vmem>>
    %dma_wait3A_489 = arith.constant 0 : i32
    %dma_wait3A_490 = tpu.memref_slice %arg8[%dma_wait3A_489] : memref<1024xf32, #tpu.memory_space<vmem_shared>> -> memref<1024xf32, #tpu.memory_space<vmem_shared>>
    tpu.wait_indirect_dma semaphore(%arg9 : memref<!tpu.dma_semaphore, #tpu.memory_space<semaphore_mem>>) src(%dma_wait3A_485 : memref<112xf32, #tpu.memory_space<vmem>>) dst(%dma_wait3A_490 : memref<1024xf32, #tpu.memory_space<vmem_shared>>)
    %dma_wait3A_491 = arith.constant 21 : i32
    %dma_wait3A_492 = arith.constant 21 : i32
    %dma_wait3A_493 = arith.constant 0 : i32
    %dma_wait3A_494 = tpu.memref_slice %arg6[%dma_wait3A_491, %dma_wait3A_493] : memref<28x112xf32, #tpu.memory_space<vmem>> -> memref<1x112xf32, #tpu.memory_space<vmem>>
    %dma_wait3A_495 = tpu.memref_squeeze %dma_wait3A_494 : memref<1x112xf32, #tpu.memory_space<vmem>> -> memref<112xf32, #tpu.memory_space<vmem>>
    %dma_wait3A_496 = arith.constant 0 : i32
    %dma_wait3A_497 = tpu.memref_slice %arg5[%dma_wait3A_492, %dma_wait3A_496] : memref<28x112xi32, #tpu.memory_space<vmem>> -> memref<1x112xi32, #tpu.memory_space<vmem>>
    %dma_wait3A_498 = tpu.memref_squeeze %dma_wait3A_497 : memref<1x112xi32, #tpu.memory_space<vmem>> -> memref<112xi32, #tpu.memory_space<vmem>>
    %dma_wait3A_499 = arith.constant 0 : i32
    %dma_wait3A_500 = tpu.memref_slice %arg8[%dma_wait3A_499] : memref<1024xf32, #tpu.memory_space<vmem_shared>> -> memref<1024xf32, #tpu.memory_space<vmem_shared>>
    tpu.wait_indirect_dma semaphore(%arg9 : memref<!tpu.dma_semaphore, #tpu.memory_space<semaphore_mem>>) src(%dma_wait3A_495 : memref<112xf32, #tpu.memory_space<vmem>>) dst(%dma_wait3A_500 : memref<1024xf32, #tpu.memory_space<vmem_shared>>)
    %dma_wait3A_501 = arith.constant 22 : i32
    %dma_wait3A_502 = arith.constant 22 : i32
    %dma_wait3A_503 = arith.constant 0 : i32
    %dma_wait3A_504 = tpu.memref_slice %arg6[%dma_wait3A_501, %dma_wait3A_503] : memref<28x112xf32, #tpu.memory_space<vmem>> -> memref<1x112xf32, #tpu.memory_space<vmem>>
    %dma_wait3A_505 = tpu.memref_squeeze %dma_wait3A_504 : memref<1x112xf32, #tpu.memory_space<vmem>> -> memref<112xf32, #tpu.memory_space<vmem>>
    %dma_wait3A_506 = arith.constant 0 : i32
    %dma_wait3A_507 = tpu.memref_slice %arg5[%dma_wait3A_502, %dma_wait3A_506] : memref<28x112xi32, #tpu.memory_space<vmem>> -> memref<1x112xi32, #tpu.memory_space<vmem>>
    %dma_wait3A_508 = tpu.memref_squeeze %dma_wait3A_507 : memref<1x112xi32, #tpu.memory_space<vmem>> -> memref<112xi32, #tpu.memory_space<vmem>>
    %dma_wait3A_509 = arith.constant 0 : i32
    %dma_wait3A_510 = tpu.memref_slice %arg8[%dma_wait3A_509] : memref<1024xf32, #tpu.memory_space<vmem_shared>> -> memref<1024xf32, #tpu.memory_space<vmem_shared>>
    tpu.wait_indirect_dma semaphore(%arg9 : memref<!tpu.dma_semaphore, #tpu.memory_space<semaphore_mem>>) src(%dma_wait3A_505 : memref<112xf32, #tpu.memory_space<vmem>>) dst(%dma_wait3A_510 : memref<1024xf32, #tpu.memory_space<vmem_shared>>)
    %dma_wait3A_511 = arith.constant 23 : i32
    %dma_wait3A_512 = arith.constant 23 : i32
    %dma_wait3A_513 = arith.constant 0 : i32
    %dma_wait3A_514 = tpu.memref_slice %arg6[%dma_wait3A_511, %dma_wait3A_513] : memref<28x112xf32, #tpu.memory_space<vmem>> -> memref<1x112xf32, #tpu.memory_space<vmem>>
    %dma_wait3A_515 = tpu.memref_squeeze %dma_wait3A_514 : memref<1x112xf32, #tpu.memory_space<vmem>> -> memref<112xf32, #tpu.memory_space<vmem>>
    %dma_wait3A_516 = arith.constant 0 : i32
    %dma_wait3A_517 = tpu.memref_slice %arg5[%dma_wait3A_512, %dma_wait3A_516] : memref<28x112xi32, #tpu.memory_space<vmem>> -> memref<1x112xi32, #tpu.memory_space<vmem>>
    %dma_wait3A_518 = tpu.memref_squeeze %dma_wait3A_517 : memref<1x112xi32, #tpu.memory_space<vmem>> -> memref<112xi32, #tpu.memory_space<vmem>>
    %dma_wait3A_519 = arith.constant 0 : i32
    %dma_wait3A_520 = tpu.memref_slice %arg8[%dma_wait3A_519] : memref<1024xf32, #tpu.memory_space<vmem_shared>> -> memref<1024xf32, #tpu.memory_space<vmem_shared>>
    tpu.wait_indirect_dma semaphore(%arg9 : memref<!tpu.dma_semaphore, #tpu.memory_space<semaphore_mem>>) src(%dma_wait3A_515 : memref<112xf32, #tpu.memory_space<vmem>>) dst(%dma_wait3A_520 : memref<1024xf32, #tpu.memory_space<vmem_shared>>)
    %dma_wait3A_521 = arith.constant 24 : i32
    %dma_wait3A_522 = arith.constant 24 : i32
    %dma_wait3A_523 = arith.constant 0 : i32
    %dma_wait3A_524 = tpu.memref_slice %arg6[%dma_wait3A_521, %dma_wait3A_523] : memref<28x112xf32, #tpu.memory_space<vmem>> -> memref<1x112xf32, #tpu.memory_space<vmem>>
    %dma_wait3A_525 = tpu.memref_squeeze %dma_wait3A_524 : memref<1x112xf32, #tpu.memory_space<vmem>> -> memref<112xf32, #tpu.memory_space<vmem>>
    %dma_wait3A_526 = arith.constant 0 : i32
    %dma_wait3A_527 = tpu.memref_slice %arg5[%dma_wait3A_522, %dma_wait3A_526] : memref<28x112xi32, #tpu.memory_space<vmem>> -> memref<1x112xi32, #tpu.memory_space<vmem>>
    %dma_wait3A_528 = tpu.memref_squeeze %dma_wait3A_527 : memref<1x112xi32, #tpu.memory_space<vmem>> -> memref<112xi32, #tpu.memory_space<vmem>>
    %dma_wait3A_529 = arith.constant 0 : i32
    %dma_wait3A_530 = tpu.memref_slice %arg8[%dma_wait3A_529] : memref<1024xf32, #tpu.memory_space<vmem_shared>> -> memref<1024xf32, #tpu.memory_space<vmem_shared>>
    tpu.wait_indirect_dma semaphore(%arg9 : memref<!tpu.dma_semaphore, #tpu.memory_space<semaphore_mem>>) src(%dma_wait3A_525 : memref<112xf32, #tpu.memory_space<vmem>>) dst(%dma_wait3A_530 : memref<1024xf32, #tpu.memory_space<vmem_shared>>)
    %dma_wait3A_531 = arith.constant 25 : i32
    %dma_wait3A_532 = arith.constant 25 : i32
    %dma_wait3A_533 = arith.constant 0 : i32
    %dma_wait3A_534 = tpu.memref_slice %arg6[%dma_wait3A_531, %dma_wait3A_533] : memref<28x112xf32, #tpu.memory_space<vmem>> -> memref<1x112xf32, #tpu.memory_space<vmem>>
    %dma_wait3A_535 = tpu.memref_squeeze %dma_wait3A_534 : memref<1x112xf32, #tpu.memory_space<vmem>> -> memref<112xf32, #tpu.memory_space<vmem>>
    %dma_wait3A_536 = arith.constant 0 : i32
    %dma_wait3A_537 = tpu.memref_slice %arg5[%dma_wait3A_532, %dma_wait3A_536] : memref<28x112xi32, #tpu.memory_space<vmem>> -> memref<1x112xi32, #tpu.memory_space<vmem>>
    %dma_wait3A_538 = tpu.memref_squeeze %dma_wait3A_537 : memref<1x112xi32, #tpu.memory_space<vmem>> -> memref<112xi32, #tpu.memory_space<vmem>>
    %dma_wait3A_539 = arith.constant 0 : i32
    %dma_wait3A_540 = tpu.memref_slice %arg8[%dma_wait3A_539] : memref<1024xf32, #tpu.memory_space<vmem_shared>> -> memref<1024xf32, #tpu.memory_space<vmem_shared>>
    tpu.wait_indirect_dma semaphore(%arg9 : memref<!tpu.dma_semaphore, #tpu.memory_space<semaphore_mem>>) src(%dma_wait3A_535 : memref<112xf32, #tpu.memory_space<vmem>>) dst(%dma_wait3A_540 : memref<1024xf32, #tpu.memory_space<vmem_shared>>)
    %dma_wait3A_541 = arith.constant 26 : i32
    %dma_wait3A_542 = arith.constant 26 : i32
    %dma_wait3A_543 = arith.constant 0 : i32
    %dma_wait3A_544 = tpu.memref_slice %arg6[%dma_wait3A_541, %dma_wait3A_543] : memref<28x112xf32, #tpu.memory_space<vmem>> -> memref<1x112xf32, #tpu.memory_space<vmem>>
    %dma_wait3A_545 = tpu.memref_squeeze %dma_wait3A_544 : memref<1x112xf32, #tpu.memory_space<vmem>> -> memref<112xf32, #tpu.memory_space<vmem>>
    %dma_wait3A_546 = arith.constant 0 : i32
    %dma_wait3A_547 = tpu.memref_slice %arg5[%dma_wait3A_542, %dma_wait3A_546] : memref<28x112xi32, #tpu.memory_space<vmem>> -> memref<1x112xi32, #tpu.memory_space<vmem>>
    %dma_wait3A_548 = tpu.memref_squeeze %dma_wait3A_547 : memref<1x112xi32, #tpu.memory_space<vmem>> -> memref<112xi32, #tpu.memory_space<vmem>>
    %dma_wait3A_549 = arith.constant 0 : i32
    %dma_wait3A_550 = tpu.memref_slice %arg8[%dma_wait3A_549] : memref<1024xf32, #tpu.memory_space<vmem_shared>> -> memref<1024xf32, #tpu.memory_space<vmem_shared>>
    tpu.wait_indirect_dma semaphore(%arg9 : memref<!tpu.dma_semaphore, #tpu.memory_space<semaphore_mem>>) src(%dma_wait3A_545 : memref<112xf32, #tpu.memory_space<vmem>>) dst(%dma_wait3A_550 : memref<1024xf32, #tpu.memory_space<vmem_shared>>)
    %dma_wait3A_551 = arith.constant 27 : i32
    %dma_wait3A_552 = arith.constant 27 : i32
    %dma_wait3A_553 = arith.constant 0 : i32
    %dma_wait3A_554 = tpu.memref_slice %arg6[%dma_wait3A_551, %dma_wait3A_553] : memref<28x112xf32, #tpu.memory_space<vmem>> -> memref<1x112xf32, #tpu.memory_space<vmem>>
    %dma_wait3A_555 = tpu.memref_squeeze %dma_wait3A_554 : memref<1x112xf32, #tpu.memory_space<vmem>> -> memref<112xf32, #tpu.memory_space<vmem>>
    %dma_wait3A_556 = arith.constant 0 : i32
    %dma_wait3A_557 = tpu.memref_slice %arg5[%dma_wait3A_552, %dma_wait3A_556] : memref<28x112xi32, #tpu.memory_space<vmem>> -> memref<1x112xi32, #tpu.memory_space<vmem>>
    %dma_wait3A_558 = tpu.memref_squeeze %dma_wait3A_557 : memref<1x112xi32, #tpu.memory_space<vmem>> -> memref<112xi32, #tpu.memory_space<vmem>>
    %dma_wait3A_559 = arith.constant 0 : i32
    %dma_wait3A_560 = tpu.memref_slice %arg8[%dma_wait3A_559] : memref<1024xf32, #tpu.memory_space<vmem_shared>> -> memref<1024xf32, #tpu.memory_space<vmem_shared>>
    tpu.wait_indirect_dma semaphore(%arg9 : memref<!tpu.dma_semaphore, #tpu.memory_space<semaphore_mem>>) src(%dma_wait3A_555 : memref<112xf32, #tpu.memory_space<vmem>>) dst(%dma_wait3A_560 : memref<1024xf32, #tpu.memory_space<vmem_shared>>)
    %barrier3A_561 = arith.constant 0 : index
    tpu.barrier barrier_id(%barrier3A_561)
    %eq3A_562 = arith.constant 0 : i32
    %eq3A_563 = arith.cmpi eq, %arg1, %eq3A_562 : i32
    %convert_element_type3A_564 = arith.extui %eq3A_563 : i1 to i32
    %cond3A_565 = arith.constant 0 : i32
    %cond3A_566 = arith.cmpi ne, %convert_element_type3A_564, %cond3A_565 : i32
    scf.if %cond3A_566 {
      "tpu.region"() ({
        %run_scoped3A = tpu.sem_alloc : memref<!tpu.dma_semaphore, #tpu.memory_space<semaphore_mem>>
        %dma_start3A_567 = arith.constant 0 : i32
        %dma_start3A_568 = tpu.memref_slice %arg4[%arg0, %dma_start3A_567] : memref<2x1024xf32, #tpu.memory_space<hbm>> -> memref<1x1024xf32, #tpu.memory_space<hbm>>
        %dma_start3A_569 = tpu.memref_squeeze %dma_start3A_568 : memref<1x1024xf32, #tpu.memory_space<hbm>> -> memref<1024xf32, #tpu.memory_space<hbm>>
        tpu.enqueue_dma source(%arg8 : memref<1024xf32, #tpu.memory_space<vmem_shared>>) target(%dma_start3A_569 : memref<1024xf32, #tpu.memory_space<hbm>>) target_semaphore(%run_scoped3A : memref<!tpu.dma_semaphore, #tpu.memory_space<semaphore_mem>>)
        %dma_wait3A_570 = arith.constant 0 : i32
        %dma_wait3A_571 = tpu.memref_slice %arg4[%arg0, %dma_wait3A_570] : memref<2x1024xf32, #tpu.memory_space<hbm>> -> memref<1x1024xf32, #tpu.memory_space<hbm>>
        %dma_wait3A_572 = tpu.memref_squeeze %dma_wait3A_571 : memref<1x1024xf32, #tpu.memory_space<hbm>> -> memref<1024xf32, #tpu.memory_space<hbm>>
        tpu.wait_dma2 semaphore(%run_scoped3A : memref<!tpu.dma_semaphore, #tpu.memory_space<semaphore_mem>>) src(%arg8 : memref<1024xf32, #tpu.memory_space<vmem_shared>>) dst(%dma_wait3A_572 : memref<1024xf32, #tpu.memory_space<hbm>>)
        tpu.yield
      }) : () -> ()
    } else {
    }
    return
  }
}

module attributes {stable_mosaic.version = 14 : i64} {
  func.func @_tc_body(%arg0: i32, %arg1: memref<112x128xi32, #tpu.memory_space<vmem>>, %arg2: memref<112x128xf32, #tpu.memory_space<vmem>>, %arg3: memref<112x128xf32, #tpu.memory_space<vmem>>, %arg4: memref<112x128xf32, #tpu.memory_space<vmem>>, %arg5: memref<128x128xbf16, #tpu.memory_space<vmem>>, %arg6: memref<128x128xbf16, #tpu.memory_space<vmem>>, %arg7: memref<128x3xf32, #tpu.memory_space<vmem>>, %arg8: memref<128x1xf32, #tpu.memory_space<vmem>>, %arg9: memref<128x1xf32, #tpu.memory_space<vmem>>, %arg10: memref<112x128xf32, #tpu.memory_space<vmem>>) attributes {dimension_semantics = [#tpu.dimension_semantics<parallel>], iteration_bounds = array<i64: 7>, scalar_prefetch = 0 : i64, scratch_operands = 0 : i64, tpu.core_type = #tpu.core_type<tc>, window_params = [{transform_indices = @transform_0, window_bounds = array<i64: 112, 128>}, {transform_indices = @transform_1, window_bounds = array<i64: 112, 128>}, {transform_indices = @transform_2, window_bounds = array<i64: 112, 128>}, {transform_indices = @transform_3, window_bounds = array<i64: 112, 128>}, {pipeline_mode = #tpu.pipeline_mode<synchronous>, transform_indices = @transform_4, window_bounds = array<i64: 128, 128>}, {pipeline_mode = #tpu.pipeline_mode<synchronous>, transform_indices = @transform_5, window_bounds = array<i64: 128, 128>}, {pipeline_mode = #tpu.pipeline_mode<synchronous>, transform_indices = @transform_6, window_bounds = array<i64: 128, 3>}, {pipeline_mode = #tpu.pipeline_mode<synchronous>, transform_indices = @transform_7, window_bounds = array<i64: 128, 1>}, {pipeline_mode = #tpu.pipeline_mode<synchronous>, transform_indices = @transform_8, window_bounds = array<i64: 128, 1>}, {transform_indices = @transform_9, window_bounds = array<i64: 112, 128>}]} {
    %get3A = arith.constant 0 : index
    %get3A_0 = arith.constant 0 : index
    %get3A_1 = vector.load %arg7[%get3A, %get3A_0] : memref<128x3xf32, #tpu.memory_space<vmem>>, vector<128x1xf32>
    %get3A_2 = arith.constant 0 : index
    %get3A_3 = arith.constant 1 : index
    %get3A_4 = vector.load %arg7[%get3A_2, %get3A_3] : memref<128x3xf32, #tpu.memory_space<vmem>>, vector<128x1xf32>
    %get3A_5 = arith.constant 0 : index
    %get3A_6 = arith.constant 2 : index
    %get3A_7 = vector.load %arg7[%get3A_5, %get3A_6] : memref<128x3xf32, #tpu.memory_space<vmem>>, vector<128x1xf32>
    %get3A_8 = arith.constant 0 : index
    %get3A_9 = arith.constant 0 : index
    %get3A_10 = vector.load %arg8[%get3A_8, %get3A_9] : memref<128x1xf32, #tpu.memory_space<vmem>>, vector<128x1xf32>
    %get3A_11 = arith.constant 0 : index
    %get3A_12 = arith.constant 0 : index
    %get3A_13 = vector.load %arg9[%get3A_11, %get3A_12] : memref<128x1xf32, #tpu.memory_space<vmem>>, vector<128x1xf32>
    %iota3A = tpu.iota {dimensions = array<i32: 0>} : vector<128x14336xi32>
    %iota3A_14 = tpu.iota {dimensions = array<i32: 1>} : vector<1x14336xi32>
    %get3A_15 = arith.constant 0 : index
    %get3A_16 = arith.constant 0 : index
    %get3A_17 = vector.load %arg1[%get3A_15, %get3A_16] : memref<112x128xi32, #tpu.memory_space<vmem>>, vector<112x128xi32>
    %reshape3A = vector.shape_cast %get3A_17 : vector<112x128xi32> to vector<1x14336xi32>
    %eq3A = vector.broadcast %reshape3A : vector<1x14336xi32> to vector<128x14336xi32>
    %eq3A_18 = arith.cmpi eq, %iota3A, %eq3A : vector<128x14336xi32>
    %convert_element_type3A = arith.extui %eq3A_18 : vector<128x14336xi1> to vector<128x14336xi32>
    %convert_element_type3A_19 = arith.sitofp %convert_element_type3A : vector<128x14336xi32> to vector<128x14336xf32>
    %convert_element_type3A_20 = arith.truncf %convert_element_type3A_19 : vector<128x14336xf32> to vector<128x14336xbf16>
    %get3A_21 = arith.constant 0 : index
    %get3A_22 = arith.constant 0 : index
    %get3A_23 = vector.load %arg5[%get3A_21, %get3A_22] : memref<128x128xbf16, #tpu.memory_space<vmem>>, vector<128x128xbf16>
    %dot_general3A = arith.constant dense<0.000000e+00> : vector<128x14336xf32>
    %dot_general3A_24 = tpu.matmul %get3A_23, %convert_element_type3A_20, %dot_general3A {dimension_numbers = #tpu.dot_dimension_numbers<[1], [0], [0], [1], [0, 0, 1, 1], [], []>, transpose_lhs_hint = false} : vector<128x128xbf16>, vector<128x14336xbf16>, vector<128x14336xf32> -> vector<128x14336xf32>
    %get3A_25 = arith.constant 0 : index
    %get3A_26 = arith.constant 0 : index
    %get3A_27 = vector.load %arg6[%get3A_25, %get3A_26] : memref<128x128xbf16, #tpu.memory_space<vmem>>, vector<128x128xbf16>
    %dot_general3A_28 = arith.constant dense<0.000000e+00> : vector<128x14336xf32>
    %dot_general3A_29 = tpu.matmul %get3A_27, %convert_element_type3A_20, %dot_general3A_28 {dimension_numbers = #tpu.dot_dimension_numbers<[1], [0], [0], [1], [0, 0, 1, 1], [], []>, transpose_lhs_hint = false} : vector<128x128xbf16>, vector<128x14336xbf16>, vector<128x14336xf32> -> vector<128x14336xf32>
    %add3A = arith.addf %dot_general3A_24, %dot_general3A_29 : vector<128x14336xf32>
    %get3A_30 = arith.constant 0 : index
    %get3A_31 = arith.constant 0 : index
    %get3A_32 = vector.load %arg2[%get3A_30, %get3A_31] : memref<112x128xf32, #tpu.memory_space<vmem>>, vector<112x128xf32>
    %reshape3A_33 = vector.shape_cast %get3A_32 : vector<112x128xf32> to vector<1x14336xf32>
    %mul3A = vector.broadcast %get3A_1 : vector<128x1xf32> to vector<128x14336xf32>
    %mul3A_34 = vector.broadcast %reshape3A_33 : vector<1x14336xf32> to vector<128x14336xf32>
    %mul3A_35 = arith.mulf %mul3A, %mul3A_34 : vector<128x14336xf32>
    %add3A_36 = arith.addf %add3A, %mul3A_35 : vector<128x14336xf32>
    %get3A_37 = arith.constant 0 : index
    %get3A_38 = arith.constant 0 : index
    %get3A_39 = vector.load %arg3[%get3A_37, %get3A_38] : memref<112x128xf32, #tpu.memory_space<vmem>>, vector<112x128xf32>
    %reshape3A_40 = vector.shape_cast %get3A_39 : vector<112x128xf32> to vector<1x14336xf32>
    %mul3A_41 = vector.broadcast %get3A_4 : vector<128x1xf32> to vector<128x14336xf32>
    %mul3A_42 = vector.broadcast %reshape3A_40 : vector<1x14336xf32> to vector<128x14336xf32>
    %mul3A_43 = arith.mulf %mul3A_41, %mul3A_42 : vector<128x14336xf32>
    %add3A_44 = arith.addf %add3A_36, %mul3A_43 : vector<128x14336xf32>
    %get3A_45 = arith.constant 0 : index
    %get3A_46 = arith.constant 0 : index
    %get3A_47 = vector.load %arg4[%get3A_45, %get3A_46] : memref<112x128xf32, #tpu.memory_space<vmem>>, vector<112x128xf32>
    %reshape3A_48 = vector.shape_cast %get3A_47 : vector<112x128xf32> to vector<1x14336xf32>
    %mul3A_49 = vector.broadcast %get3A_7 : vector<128x1xf32> to vector<128x14336xf32>
    %mul3A_50 = vector.broadcast %reshape3A_48 : vector<1x14336xf32> to vector<128x14336xf32>
    %mul3A_51 = arith.mulf %mul3A_49, %mul3A_50 : vector<128x14336xf32>
    %add3A_52 = arith.addf %add3A_44, %mul3A_51 : vector<128x14336xf32>
    %add3A_53 = vector.broadcast %get3A_10 : vector<128x1xf32> to vector<128x14336xf32>
    %add3A_54 = arith.addf %add3A_52, %add3A_53 : vector<128x14336xf32>
    %logistic3A = arith.negf %add3A_54 : vector<128x14336xf32>
    %logistic3A_55 = math.exp %logistic3A : vector<128x14336xf32>
    %logistic3A_56 = arith.constant 1.000000e+00 : f32
    %logistic3A_57 = vector.broadcast %logistic3A_56 : f32 to vector<128x14336xf32>
    %logistic3A_58 = arith.addf %logistic3A_57, %logistic3A_55 : vector<128x14336xf32>
    %logistic3A_59 = arith.divf %logistic3A_57, %logistic3A_58 : vector<128x14336xf32>
    %mul3A_60 = arith.mulf %add3A_54, %logistic3A_59 : vector<128x14336xf32>
    %mul3A_61 = vector.broadcast %get3A_13 : vector<128x1xf32> to vector<128x14336xf32>
    %mul3A_62 = arith.mulf %mul3A_60, %mul3A_61 : vector<128x14336xf32>
    %reduce_sum3A = arith.constant dense<0.000000e+00> : vector<14336xf32>
    %reduce_sum3A_63 = vector.multi_reduction <add>, %mul3A_62, %reduce_sum3A [0] : vector<128x14336xf32> to vector<14336xf32>
    %broadcast_in_dim3A = vector.shape_cast %reduce_sum3A_63 : vector<14336xf32> to vector<1x14336xf32>
    %mul3A_64 = arith.constant 14336 : i32
    %mul3A_65 = arith.muli %arg0, %mul3A_64 : i32
    %add3A_66 = vector.broadcast %mul3A_65 : i32 to vector<1x14336xi32>
    %add3A_67 = arith.addi %add3A_66, %iota3A_14 : vector<1x14336xi32>
    %lt3A = arith.constant 100000 : i32
    %lt3A_68 = vector.broadcast %lt3A : i32 to vector<1x14336xi32>
    %lt3A_69 = arith.cmpi slt, %add3A_67, %lt3A_68 : vector<1x14336xi32>
    %jit3A = arith.constant 0.000000e+00 : f32
    %broadcast_in_dim3A_70 = vector.broadcast %jit3A : f32 to vector<1x14336xf32>
    %select_n3A = arith.select %lt3A_69, %broadcast_in_dim3A, %broadcast_in_dim3A_70 : vector<1x14336xi1>, vector<1x14336xf32>
    %reshape3A_71 = vector.shape_cast %select_n3A : vector<1x14336xf32> to vector<112x128xf32>
    %swap3A = arith.constant 0 : index
    %swap3A_72 = arith.constant 0 : index
    %swap3A_73 = vector.load %arg10[%swap3A, %swap3A_72] : memref<112x128xf32, #tpu.memory_space<vmem>>, vector<112x128xf32>
    tpu.vector_store %arg10[%swap3A, %swap3A_72], %reshape3A_71 {strides = array<i32>} : memref<112x128xf32, #tpu.memory_space<vmem>>, vector<112x128xf32>,
    return
  }
  func.func @transform_0(%arg0: i32) -> (i32, i32) {
    %c0_i32 = arith.constant 0 : i32
    %c0_i32_0 = arith.constant 0 : i32
    return %arg0, %c0_i32 : i32, i32
  }
  func.func @transform_1(%arg0: i32) -> (i32, i32) {
    %c0_i32 = arith.constant 0 : i32
    %c0_i32_0 = arith.constant 0 : i32
    return %arg0, %c0_i32 : i32, i32
  }
  func.func @transform_2(%arg0: i32) -> (i32, i32) {
    %c0_i32 = arith.constant 0 : i32
    %c0_i32_0 = arith.constant 0 : i32
    return %arg0, %c0_i32 : i32, i32
  }
  func.func @transform_3(%arg0: i32) -> (i32, i32) {
    %c0_i32 = arith.constant 0 : i32
    %c0_i32_0 = arith.constant 0 : i32
    return %arg0, %c0_i32 : i32, i32
  }
  func.func @transform_4(%arg0: i32) -> (i32, i32) {
    %c0_i32 = arith.constant 0 : i32
    %c0_i32_0 = arith.constant 0 : i32
    %c0_i32_1 = arith.constant 0 : i32
    return %c0_i32, %c0_i32_0 : i32, i32
  }
  func.func @transform_5(%arg0: i32) -> (i32, i32) {
    %c0_i32 = arith.constant 0 : i32
    %c0_i32_0 = arith.constant 0 : i32
    %c0_i32_1 = arith.constant 0 : i32
    return %c0_i32, %c0_i32_0 : i32, i32
  }
  func.func @transform_6(%arg0: i32) -> (i32, i32) {
    %c0_i32 = arith.constant 0 : i32
    %c0_i32_0 = arith.constant 0 : i32
    %c0_i32_1 = arith.constant 0 : i32
    return %c0_i32, %c0_i32_0 : i32, i32
  }
  func.func @transform_7(%arg0: i32) -> (i32, i32) {
    %c0_i32 = arith.constant 0 : i32
    %c0_i32_0 = arith.constant 0 : i32
    %c0_i32_1 = arith.constant 0 : i32
    return %c0_i32, %c0_i32_0 : i32, i32
  }
  func.func @transform_8(%arg0: i32) -> (i32, i32) {
    %c0_i32 = arith.constant 0 : i32
    %c0_i32_0 = arith.constant 0 : i32
    %c0_i32_1 = arith.constant 0 : i32
    return %c0_i32, %c0_i32_0 : i32, i32
  }
  func.func @transform_9(%arg0: i32) -> (i32, i32) {
    %c0_i32 = arith.constant 0 : i32
    %c0_i32_0 = arith.constant 0 : i32
    return %arg0, %c0_i32 : i32, i32
  }
}

</mosaic_0001>

<sc_bundles>
// kernel: kernel.4.cloned.1.call-start
scs
__scs_entry_jumppad:
0x0: {  	(pc) =	sbr.rel $0x88, $3  }
0x1: {  	(tag) =	ssettag $0x0;
	lr =	simm.s32 $0x1  }
0x2: {  	[smem:$0x3F99] =	sst lr;
	_ =	strace $0xD0000000  }
0x3: {  	_ = 	snop  }
0x4: {  	_ = 	snop  }
0x5: {  	_ = 	snop  }
0x6: {  	_ = 	snop  }
0x7: {  	_ = 	snop  }
__scs_overlays_trampoline_lowered:
0x8: {  	[smem:$0x3FA8] =	sst s0  }
0x9: {  	[smem:$0x3FA9] =	sst s1  }
0xa: {  	[smem:$0x3FAA] =	sst s2  }
0xb: {  	[smem:$0x3FAB] =	sst s3  }
0xc: {  	[smem:$0x3FAC] =	sst s4  }
0xd: {  	[smem:$0x3FAD] =	sst s5  }
0xe: {  	[smem:$0x3FAE] =	sst s6  }
0xf: {  	[smem:$0x3FAF] =	sst s7  }
0x10: {  	[smem:$0x3FB0] =	sst s8  }
0x11: {  	[smem:$0x3FB1] =	sst s9;
	s0 =	simm.s32 @!p0 $0x0  }
0x12: {  	s1 =	sld [smem:$0x3F97];
	s0 =	simm.s32 @p0 $0x1  }
0x13: {  	[smem:$0x3FB2] =	sst s0;
	s0 =	simm.s32 @!p1 $0x0  }
0x14: {  	s2 =	sld [smem:$0x3F96];
	s0 =	simm.s32 @p1 $0x1  }
0x15: {  	[smem:$0x3FB3] =	sst s0;
	s0 =	simm.s32 @!p2 $0x0  }
0x16: {  	s3 =	sld [smem:$0x3FDB];
	s0 =	simm.s32 @p2 $0x1  }
0x17: {  	s4 =	simm.s32 $0x1BF5;
	[smem:$0x3FB5] =	sst s0  }
0x18: {  	s0 =	sld [smem:$0x3F98];
	_ =	swait.ge [sflag:s4], $0x0  }
0x19: {  	s7 =	sld [smem:$0x3F99]  }
0x1a: {  	s8 =	sadd.s32 $0xFFFFE003, lr  }
0x1b: {  	s9 =	sadd.s32 $0xFFFFFEF7, lr;
	s5 =	simm.s32 $0xFFFFFFFF;
	p2 =	slt.u32 s8, $0xFFFFF086  }
0x1c: {  	p1 =	slt.u32 s9, $0xF7A;
	s5 =	simm.s32 @!p2 $0x0  }
0x1d: {  	s5 =	simm.s32 @p1 $0x1;
	p0 =	seq.s32 s7, s2  }
0x1e: {  	s7 =	smul.u32 @!p0 $0xF7A, s2;
	p2 =	seq.s32 @!p0 s5, $0x0  }
0x1f: {  	s9 =	smul.u32 $0xF7A, s1;
	s8 =	simm.s32 @!p0 $0x1BF5;
	p2 =	por !p2, p0  }
0x20: {  	[sflag:s8] =	ssyncset.s32 @!p0 $0xFFFFF086;
	s6 =	sadd.s32 @!p0 s3, s7;
	s7 =	simm.s32 @!p0 $0x108  }
0x21: {  	s3 =	sadd.s32 s3, s9;
	s6 =	sadd.s32 @!p0 $0x88, s6;
	s7 =	simm.s32 @p2 $0x1082  }
0x22: {  	[simem:s7], [sflag:s8] =	dma.local @!p0 [hbm:s6], $0xF7A  }
0x23: {  	s9 =	sor.u32 $0xD0000000, s2;
	s6 =	simm.s32 $0x108;
	_ =	swait.ge @!p0 [sflag:s8], $0x0  }
0x24: {  	s3 =	sadd.s32 $0x88, s3;
	s6 =	simm.s32 @!p1 $0x1082;
	[sflag:s4] =	ssyncset.s32 $0xFFFFF086  }
0x25: {  	[simem:s6], [sflag:s4] =	dma.local [hbm:s3], $0xF7A  }
0x26: {  	[smem:$0x3F99] =	sst s1;
	(tag) =	ssettag s2;
	_ =	strace s9  }
0x27: {  	s1 =	sld [smem:$0x3FA9]  }
0x28: {  	s2 =	sld [smem:$0x3FAA]  }
0x29: {  	s4 =	sld [smem:$0x3FAC]  }
0x2a: {  	p0 =	seq.s32 s5, $0x0;
	s5 =	sld [smem:$0x3FAD]  }
0x2b: {  	s6 =	sld [smem:$0x3FAE]  }
0x2c: {  	s7 =	sld [smem:$0x3FAF]  }
0x2d: {  	s3 =	simm.s32 $0x108;
	s8 =	sld [smem:$0x3FB0]  }
0x2e: {  	s3 =	simm.s32 @!p0 $0x1082;
	s9 =	sld [smem:$0x3FB1]  }
0x2f: {  	lr =	sadd.s32 s0, s3;
	s0 =	sld [smem:$0x3FA8]  }
0x30: {  	s3 =	sld [smem:$0x3FAB]  }
0x31: {  	[smem:$0x3FB4] =	sst s10  }
0x32: {  	s10 =	sld [smem:$0x3FB2];
	_ =	sdelay $0x3  }
0x33: {  	p0 =	seq.s32 s10, $0x1;
	s10 =	sld [smem:$0x3FB4];
	_ =	sdelay $0x3  }
0x34: {  	[smem:$0x3FB4] =	sst s10  }
0x35: {  	s10 =	sld [smem:$0x3FB3];
	_ =	sdelay $0x3  }
0x36: {  	p1 =	seq.s32 s10, $0x1;
	s10 =	sld [smem:$0x3FB4];
	_ =	sdelay $0x3  }
0x37: {  	[smem:$0x3FB4] =	sst s10  }
0x38: {  	s10 =	sld [smem:$0x3FB5]  }
0x39: {  	_ = 	snop;
	(pc) =	sbr.ind lr, $3  }
0x3a: {  	_ = 	snop  }
0x3b: {  	_ = 	snop  }
0x3c: {  	p2 =	seq.s32 s10, $0x1;
	s10 =	sld [smem:$0x3FB4]  }
0x3d: {  	_ =	shalt  }
0x3e: {  	_ =	shalt  }
0x3f: {  	_ =	shalt  }
0x40: {  	_ =	shalt  }
0x41: {  	_ =	shalt  }
0x42: {  	_ =	shalt  }
0x43: {  	_ =	shalt  }
0x44: {  	_ =	shalt  }
0x45: {  	_ =	shalt  }
0x46: {  	_ =	shalt  }
0x47: {  	_ =	shalt  }
0x48: {  	_ =	shalt  }
0x49: {  	_ =	shalt  }
0x4a: {  	_ =	shalt  }
0x4b: {  	_ =	shalt  }
0x4c: {  	_ =	shalt  }
0x4d: {  	_ =	shalt  }
0x4e: {  	_ =	shalt  }
0x4f: {  	_ =	shalt  }
0x50: {  	_ =	shalt  }
0x51: {  	_ =	shalt  }
0x52: {  	_ =	shalt  }
0x53: {  	_ =	shalt  }
0x54: {  	_ =	shalt  }
0x55: {  	_ =	shalt  }
0x56: {  	_ =	shalt  }
0x57: {  	_ =	shalt  }
0x58: {  	_ =	shalt  }
0x59: {  	_ =	shalt  }
0x5a: {  	_ =	shalt  }
0x5b: {  	_ =	shalt  }
0x5c: {  	_ =	shalt  }
0x5d: {  	_ =	shalt  }
0x5e: {  	_ =	shalt  }
0x5f: {  	_ =	shalt  }
0x60: {  	_ =	shalt  }
0x61: {  	_ =	shalt  }
0x62: {  	_ =	shalt  }
0x63: {  	_ =	shalt  }
0x64: {  	_ =	shalt  }
0x65: {  	_ =	shalt  }
0x66: {  	_ =	shalt  }
0x67: {  	_ =	shalt  }
0x68: {  	_ =	shalt  }
0x69: {  	_ =	shalt  }
0x6a: {  	_ =	shalt  }
0x6b: {  	_ =	shalt  }
0x6c: {  	_ =	shalt  }
0x6d: {  	_ =	shalt  }
0x6e: {  	_ =	shalt  }
0x6f: {  	_ =	shalt  }
0x70: {  	_ =	shalt  }
0x71: {  	_ =	shalt  }
0x72: {  	_ =	shalt  }
0x73: {  	_ =	shalt  }
0x74: {  	_ =	shalt  }
0x75: {  	_ =	shalt  }
0x76: {  	_ =	shalt  }
0x77: {  	_ =	shalt  }
0x78: {  	_ =	shalt  }
0x79: {  	_ =	shalt  }
0x7a: {  	_ =	shalt  }
0x7b: {  	_ =	shalt  }
0x7c: {  	_ =	shalt  }
0x7d: {  	_ =	shalt  }
0x7e: {  	_ =	shalt  }
0x7f: {  	_ =	shalt  }
0x80: {  	_ =	shalt  }
0x81: {  	_ =	shalt  }
0x82: {  	_ =	shalt  }
0x83: {  	_ =	shalt  }
0x84: {  	_ =	shalt  }
0x85: {  	_ =	shalt  }
0x86: {  	_ =	shalt  }
0x87: {  	_ =	shalt  }
.Lfunc_end0:
.L_simem_size_0:
called_computation_lowered:
.L_overlay_start_0:
0x88: {  	s2 =	sld [smem:$0x3FD9]  }
0x89: {  	s3 =	sld [smem:$0x3FFE];
	_ =	sdelay $0x1  }
0x8a: {  	s1 =	srdreg.scid  }
0x8b: {  	s0 =	sand.u32 $0x1, s1  }
0x8c: {  	s16 =	sshll.u32 s0, $0xA;
	s2 =	sadd.s32 s3, s2  }
0x8d: {  	s2 =	sadd.s32 s2, s16  }
0x8e: {  	[smem:$0x3FC0] =	sst s2  }
0x8f: {  	_ = 	snop  }
0x90: {  	(tm) =	ssettm $0x1  }
0x91: {  	s17 =	sld [smem:$0x3FFB];
	_ =	sdelay $0x3  }
0x92: {  	_ =	strace s17  }
0x93: {  	s2 =	sld [smem:$0x3FFC];
	_ =	sdelay $0x3  }
0x94: {  	_ =	strace s2  }
0x95: {  	s2 =	sld [smem:$0x3FFD];
	_ =	sdelay $0x3  }
0x96: {  	_ =	strace s2  }
0x97: {  	_ =	strace $0x8FFFFFFF  }
0x98: {  	s18 =	sld [smem:$0x3FDB];
	_ =	sdelay $0x1  }
0x99: {  	s19 =	simm.s32 $_scs_section_size  }
0x9a: {  	s4 =	simm.s32 $_size__tile_overlayer_lowered;
	s5 =	simm.s32 $_tile_overlayer_lowered  }
0x9b: {  	s22 =	simm.s32 $0x1BFF;
	s21 =	sshll.u32 s5, $0x1;
	s2 =	sadd.s32 s19, s18  }
0x9c: {  	s6 =	simm.s32 $0x0;
	s20 =	sshll.u32 s4, $0x1;
	s4 =	sadd.s32 s21, s2  }
0x9d: {  	[timem:s6], [sflag:s22] =	dma.local [hbm:s4], s20  }
0x9e: {  	_ =	swait.ge [sflag:s22], s20  }
0x9f: {  	s3 =	ssub.s32 $0x0, s20;
	[sflag:s22] =	ssyncset.done $0x0  }
0xa0: {  	[sflag:s22] =	ssyncadd.s32 s3;
	_ =	sdelay $0x1  }
0xa1: {  	s23 =	simm.s32 $0x1B8B  }
0xa2: {  	_ =	swait.ge [sflag:s23], $0x1  }
0xa3: {  	[sflag:s23] =	ssyncset.done $0x0  }
0xa4: {  	s25 =	simm.s32 $0x1B8E;
	s24 =	sld [smem:$0x3FFE];
	[sflag:s23] =	ssyncadd.s32 $0xFFFFFFFF  }
0xa5: {  	s26 =	simm.s32 $execute0_lowered;
	[smem:$0x3FD2] =	sst s25  }
0xa6: {  	s4 =	sshll.u32 s26, $0x1;
	_ =	strace $0x80000046;
	[dreg:$0x1] =	wrdreg $0xFFFFFFFF  }
0xa7: {  	s28 =	simm.s32 $_size_execute0_lowered;
	s2 =	sadd.s32 s2, s4;
	[dreg:$0x0] =	wrdreg $0x0  }
0xa8: {  	s4 =	sshll.u32 s28, $0x1;
	[dreg:$0x2] =	wrdreg s2  }
0xa9: {  	[dreg:$0x3] =	wrdreg s4  }
0xaa: {  	[dreg:$0x4] =	wrdreg $0xC0  }
0xab: {  	_ =	task [dreg:s6], $0x5FFFF  }
0xac: {  	[dreg:$0x1] =	wrdreg $0xFFFFFFFF  }
0xad: {  	[dreg:$0x0] =	wrdreg $0x60  }
0xae: {  	[dreg:$0x2] =	wrdreg s24  }
0xaf: {  	[dreg:$0x3] =	wrdreg $0x24000  }
0xb0: {  	[dreg:$0x4] =	wrdreg $0x9  }
0xb1: {  	_ =	task.clear_ibuf [dreg:s6], $0x5FFFF;
	_ =	strace $0x90000046  }
0xb2: {  	s29 =	simm.s32 $0x9;
	_ =	strace $0x80000048  }
0xb3: {  	_ =	swait.ge [sflag:s29], $0x1  }
0xb4: {  	[sflag:s29] =	ssyncadd.s32 $0xFFFFFFFF  }
0xb5: {  	_ =	strace $0x90000048  }
0xb6: {  	_ =	sfence  }
0xb7: {  	s30 =	sld [smem:$0x0];
	_ =	sdelay $0x2  }
0xb8: {  	s31 =	sshll.u32 s1, $0xD;
	s1 =	sshrl.u32 s1, $0x2  }
0xb9: {  	s3 =	sand.u32 $0x4000, s31;
	s1 =	sadd.s32 s1, s30  }
0xba: {  	s0 =	sor.u32 s3, s0;
	s1 =	sshll.u32 s1, $0x11  }
0xbb: {  	s0 =	sor.u32 s1, s0  }
0xbc: {  	s0 =	sadd.s32 $0x8F2B, s0  }
0xbd: {  	[sflag:s0] =	ssyncadd.remote.s32 $0x1  }
0xbe: {  	_ =	sfence.sel $0xFFFF  }
0xbf: {  	[dreg:$0x0] =	wrdreg $0xFFFFFFFF;
	(pc) =	sbr.abs _section_cstart, $3  }
0xc0: {  	[dreg:$0x1] =	wrdreg $0xFFFFFFFF  }
0xc1: {  	_ =	task.clear_ibuf [dreg:s6], $0x2FFFF;
	_ =	strace $0x9FFFFFFF  }
0xc2: {  	(tm) =	ssettm $0x7FFFFFFF  }
0xc3: {  	_ =	shalt  }
tec
execute0_lowered:
.L_overlay_start_1:
0x0: {  	(tag) =	ssettag $0x1  }
0x1: {  	s0 =	rddreg [dreg:$0x0]  }
0x2: {  	s1 =	rddreg [dreg:$0x1];
	s3 =	srdreg.scid;
	s2 =	simm.s32 $0x0  }
0x3: {  	s7 =	stileid.u32;
	s8 =	simm.s32 $0x1000;
	s10 =	simm.s32 $0x70  }
0x4: {  	s28 =	simm.s32 $0xA00;
	s29 =	simm.s32 $0x1A00;
	s30 =	simm.s32 $0xA80  }
0x5: {  	s31 =	simm.s32 $0x1A80;
	s9 =	simm.s32 $0x1B00;
	s11 =	simm.s32 $0xB80  }
0x6: {  	s12 =	simm.s32 $0x1B80;
	s13 =	simm.s32 $0xC00;
	s14 =	simm.s32 $0x1C00  }
0x7: {  	s15 =	simm.s32 $0xC80;
	s16 =	simm.s32 $0x1C80;
	s17 =	simm.s32 $0xD00  }
0x8: {  	s18 =	simm.s32 $0x1D00;
	s19 =	simm.s32 $0xD80;
	s20 =	simm.s32 $0x1D80  }
0x9: {  	s21 =	simm.s32 $0x1;
	s3 =	sand.u32 $0x1, s3;
	[smem:$0x7FF] =	sst s2  }
0xa: {  	s5 =	sshll.u32 s7, $0x9;
	p0 =	sne.s32 s7, $0x0;
	s7 =	simm.s32 $0x2  }
.Ltmp0:
0xb: {  	s4 =	sshll.u32 s3, $0xD;
	_ =	strace $0x80000047;
	(pc) =	sbr.rel .LBB2_1-.Ltmp0, $4  }
0xc: {  	s26 =	ssub.s32 $0x2, s3;
	s3 =	sshll.u32 s3, $0x4;
	s4 =	sor.u32 s5, s4  }
0xd: {  	s6 =	sshrl.u32 s26, $0x1;
	s4 =	sadd.s32 s4, s0;
	s0 =	sadd.s32 s3, s0  }
0xe: {  	s6 =	ssub.s32 s26, s6;
	s3 =	sadd.s32 $0x5600, s4;
	s4 =	sadd.s32 $0x1600, s4  }
0xf: {  	v0 =	vimm.f32 $0.0e+00;
	s5 =	sadd.s32 $0x9600, s0;
	s6 =	smax.u32 s6, $0x1;
	s0 =	simm.s32 $0xB00  }
.LBB2_3:
0x10: {  	[bflag:$0x0] =	sbarrier.arrive $0xFFFF  }
0x11: {  	[spmem:s1] =	stream.indirect.scatter.add.f32 [tilespmem:s8], [sflag:$0x1], $0x1, s2, s10, $0xb8;
	[tilespmem:$0x2440] =	vst v63  }
0x12: {  	s22 =	simm.s32 $0x80;
	s23 =	simm.s32 $0x1080  }
0x13: {  	[spmem:s1] =	stream.indirect.scatter.add.f32 [tilespmem:s23], [sflag:$0x1], $0x1, s22, s10, $0xb8;
	[tilespmem:$0x2440] =	vst v63  }
0x14: {  	s24 =	simm.s32 $0x1100;
	s23 =	simm.s32 $0x100  }
0x15: {  	[spmem:s1] =	stream.indirect.scatter.add.f32 [tilespmem:s24], [sflag:$0x1], $0x1, s23, s10, $0xb8;
	[tilespmem:$0x2440] =	vst v63  }
0x16: {  	s25 =	simm.s32 $0x180;
	s26 =	simm.s32 $0x1180  }
0x17: {  	[spmem:s1] =	stream.indirect.scatter.add.f32 [tilespmem:s26], [sflag:$0x1], $0x1, s25, s10, $0xb8;
	[tilespmem:$0x2440] =	vst v63  }
0x18: {  	s23 =	simm.s32 $0x200;
	s24 =	simm.s32 $0x1200  }
0x19: {  	[spmem:s1] =	stream.indirect.scatter.add.f32 [tilespmem:s24], [sflag:$0x1], $0x1, s23, s10, $0xb8;
	[tilespmem:$0x2440] =	vst v63  }
0x1a: {  	s25 =	simm.s32 $0x280;
	s26 =	simm.s32 $0x1280  }
0x1b: {  	[spmem:s1] =	stream.indirect.scatter.add.f32 [tilespmem:s26], [sflag:$0x1], $0x1, s25, s10, $0xb8;
	[tilespmem:$0x2440] =	vst v63  }
0x1c: {  	s23 =	simm.s32 $0x300;
	s24 =	simm.s32 $0x1300  }
0x1d: {  	[spmem:s1] =	stream.indirect.scatter.add.f32 [tilespmem:s24], [sflag:$0x1], $0x1, s23, s10, $0xb8;
	[tilespmem:$0x2440] =	vst v63  }
0x1e: {  	s25 =	simm.s32 $0x380;
	s26 =	simm.s32 $0x1380  }
0x1f: {  	[spmem:s1] =	stream.indirect.scatter.add.f32 [tilespmem:s26], [sflag:$0x1], $0x1, s25, s10, $0xb8;
	[tilespmem:$0x2440] =	vst v63  }
0x20: {  	s23 =	simm.s32 $0x400;
	s24 =	simm.s32 $0x1400  }
0x21: {  	[spmem:s1] =	stream.indirect.scatter.add.f32 [tilespmem:s24], [sflag:$0x1], $0x1, s23, s10, $0xb8;
	[tilespmem:$0x2440] =	vst v63  }
0x22: {  	s25 =	simm.s32 $0x480;
	s26 =	simm.s32 $0x1480  }
0x23: {  	[spmem:s1] =	stream.indirect.scatter.add.f32 [tilespmem:s26], [sflag:$0x1], $0x1, s25, s10, $0xb8;
	[tilespmem:$0x2440] =	vst v63  }
0x24: {  	s23 =	simm.s32 $0x500;
	s24 =	simm.s32 $0x1500  }
0x25: {  	[spmem:s1] =	stream.indirect.scatter.add.f32 [tilespmem:s24], [sflag:$0x1], $0x1, s23, s10, $0xb8;
	[tilespmem:$0x2440] =	vst v63  }
0x26: {  	s25 =	simm.s32 $0x580;
	s26 =	simm.s32 $0x1580  }
0x27: {  	[spmem:s1] =	stream.indirect.scatter.add.f32 [tilespmem:s26], [sflag:$0x1], $0x1, s25, s10, $0xb8;
	[tilespmem:$0x2440] =	vst v63  }
0x28: {  	s23 =	simm.s32 $0x600;
	s24 =	simm.s32 $0x1600  }
0x29: {  	[spmem:s1] =	stream.indirect.scatter.add.f32 [tilespmem:s24], [sflag:$0x1], $0x1, s23, s10, $0xb8;
	[tilespmem:$0x2440] =	vst v63  }
0x2a: {  	s25 =	simm.s32 $0x680;
	s26 =	simm.s32 $0x1680  }
0x2b: {  	[spmem:s1] =	stream.indirect.scatter.add.f32 [tilespmem:s26], [sflag:$0x1], $0x1, s25, s10, $0xb8;
	[tilespmem:$0x2440] =	vst v63  }
0x2c: {  	s23 =	simm.s32 $0x700;
	s24 =	simm.s32 $0x1700  }
0x2d: {  	[spmem:s1] =	stream.indirect.scatter.add.f32 [tilespmem:s24], [sflag:$0x1], $0x1, s23, s10, $0xb8;
	[tilespmem:$0x2440] =	vst v63  }
0x2e: {  	s25 =	simm.s32 $0x780;
	s26 =	simm.s32 $0x1780  }
0x2f: {  	[spmem:s1] =	stream.indirect.scatter.add.f32 [tilespmem:s26], [sflag:$0x1], $0x1, s25, s10, $0xb8;
	[tilespmem:$0x2440] =	vst v63  }
0x30: {  	s23 =	simm.s32 $0x800;
	s24 =	simm.s32 $0x1800  }
0x31: {  	[spmem:s1] =	stream.indirect.scatter.add.f32 [tilespmem:s24], [sflag:$0x1], $0x1, s23, s10, $0xb8;
	[tilespmem:$0x2440] =	vst v63  }
0x32: {  	s25 =	simm.s32 $0x880;
	s26 =	simm.s32 $0x1880  }
0x33: {  	[spmem:s1] =	stream.indirect.scatter.add.f32 [tilespmem:s26], [sflag:$0x1], $0x1, s25, s10, $0xb8;
	[tilespmem:$0x2440] =	vst v63  }
0x34: {  	s23 =	simm.s32 $0x900;
	s24 =	simm.s32 $0x1900  }
0x35: {  	[spmem:s1] =	stream.indirect.scatter.add.f32 [tilespmem:s24], [sflag:$0x1], $0x1, s23, s10, $0xb8;
	[tilespmem:$0x2440] =	vst v63  }
0x36: {  	s25 =	simm.s32 $0x980;
	s26 =	simm.s32 $0x1980  }
0x37: {  	[spmem:s1] =	stream.indirect.scatter.add.f32 [tilespmem:s26], [sflag:$0x1], $0x1, s25, s10, $0xb8;
	[tilespmem:$0x2440] =	vst v63  }
0x38: {  	_ = 	snop  }
0x39: {  	[spmem:s1] =	stream.indirect.scatter.add.f32 [tilespmem:s29], [sflag:$0x1], $0x1, s28, s10, $0xb8;
	[tilespmem:$0x2440] =	vst v63  }
0x3a: {  	_ = 	snop  }
0x3b: {  	[spmem:s1] =	stream.indirect.scatter.add.f32 [tilespmem:s31], [sflag:$0x1], $0x1, s30, s10, $0xb8;
	[tilespmem:$0x2440] =	vst v63  }
0x3c: {  	_ = 	snop  }
0x3d: {  	[spmem:s1] =	stream.indirect.scatter.add.f32 [tilespmem:s9], [sflag:$0x1], $0x1, s0, s10, $0xb8;
	[tilespmem:$0x2440] =	vst v63  }
0x3e: {  	_ = 	snop  }
0x3f: {  	[spmem:s1] =	stream.indirect.scatter.add.f32 [tilespmem:s12], [sflag:$0x1], $0x1, s11, s10, $0xb8;
	[tilespmem:$0x2440] =	vst v63  }
0x40: {  	_ = 	snop  }
0x41: {  	[spmem:s1] =	stream.indirect.scatter.add.f32 [tilespmem:s14], [sflag:$0x1], $0x1, s13, s10, $0xb8;
	[tilespmem:$0x2440] =	vst v63  }
0x42: {  	_ = 	snop  }
0x43: {  	[spmem:s1] =	stream.indirect.scatter.add.f32 [tilespmem:s16], [sflag:$0x1], $0x1, s15, s10, $0xb8;
	[tilespmem:$0x2440] =	vst v63  }
0x44: {  	_ = 	snop  }
0x45: {  	[spmem:s1] =	stream.indirect.scatter.add.f32 [tilespmem:s18], [sflag:$0x1], $0x1, s17, s10, $0xb8;
	[tilespmem:$0x2440] =	vst v63  }
0x46: {  	_ = 	snop  }
0x47: {  	[spmem:s1] =	stream.indirect.scatter.add.f32 [tilespmem:s20], [sflag:$0x1], $0x1, s19, s10, $0xb8;
	[tilespmem:$0x2440] =	vst v63  }
0x48: {  	_ =	swait.ge [sflag:s21], $0x70  }
0x49: {  	[sflag:s21] =	ssyncset.done $0x0  }
0x4a: {  	[sflag:s21] =	ssyncadd.s32 $0xFFFFFF90  }
0x4b: {  	_ =	swait.ge [sflag:s21], $0x70  }
0x4c: {  	[sflag:s21] =	ssyncset.done $0x0  }
0x4d: {  	[sflag:s21] =	ssyncadd.s32 $0xFFFFFF90  }
0x4e: {  	_ =	swait.ge [sflag:s21], $0x70  }
0x4f: {  	[sflag:s21] =	ssyncset.done $0x0  }
0x50: {  	[sflag:s21] =	ssyncadd.s32 $0xFFFFFF90  }
0x51: {  	_ =	swait.ge [sflag:s21], $0x70  }
0x52: {  	[sflag:s21] =	ssyncset.done $0x0  }
0x53: {  	[sflag:s21] =	ssyncadd.s32 $0xFFFFFF90  }
0x54: {  	_ =	swait.ge [sflag:s21], $0x70  }
0x55: {  	[sflag:s21] =	ssyncset.done $0x0  }
0x56: {  	[sflag:s21] =	ssyncadd.s32 $0xFFFFFF90  }
0x57: {  	_ =	swait.ge [sflag:s21], $0x70  }
0x58: {  	[sflag:s21] =	ssyncset.done $0x0  }
0x59: {  	[sflag:s21] =	ssyncadd.s32 $0xFFFFFF90  }
0x5a: {  	_ =	swait.ge [sflag:s21], $0x70  }
0x5b: {  	[sflag:s21] =	ssyncset.done $0x0  }
0x5c: {  	[sflag:s21] =	ssyncadd.s32 $0xFFFFFF90  }
0x5d: {  	_ =	swait.ge [sflag:s21], $0x70  }
0x5e: {  	[sflag:s21] =	ssyncset.done $0x0  }
0x5f: {  	[sflag:s21] =	ssyncadd.s32 $0xFFFFFF90  }
0x60: {  	_ =	swait.ge [sflag:s21], $0x70  }
0x61: {  	[sflag:s21] =	ssyncset.done $0x0  }
0x62: {  	[sflag:s21] =	ssyncadd.s32 $0xFFFFFF90  }
0x63: {  	_ =	swait.ge [sflag:s21], $0x70  }
0x64: {  	[sflag:s21] =	ssyncset.done $0x0  }
0x65: {  	[sflag:s21] =	ssyncadd.s32 $0xFFFFFF90  }
0x66: {  	_ =	swait.ge [sflag:s21], $0x70  }
0x67: {  	[sflag:s21] =	ssyncset.done $0x0  }
0x68: {  	[sflag:s21] =	ssyncadd.s32 $0xFFFFFF90  }
0x69: {  	_ =	swait.ge [sflag:s21], $0x70  }
0x6a: {  	[sflag:s21] =	ssyncset.done $0x0  }
0x6b: {  	[sflag:s21] =	ssyncadd.s32 $0xFFFFFF90  }
0x6c: {  	_ =	swait.ge [sflag:s21], $0x70  }
0x6d: {  	[sflag:s21] =	ssyncset.done $0x0  }
0x6e: {  	[sflag:s21] =	ssyncadd.s32 $0xFFFFFF90  }
0x6f: {  	_ =	swait.ge [sflag:s21], $0x70  }
0x70: {  	[sflag:s21] =	ssyncset.done $0x0  }
0x71: {  	[sflag:s21] =	ssyncadd.s32 $0xFFFFFF90  }
0x72: {  	_ =	swait.ge [sflag:s21], $0x70  }
0x73: {  	[sflag:s21] =	ssyncset.done $0x0  }
0x74: {  	[sflag:s21] =	ssyncadd.s32 $0xFFFFFF90  }
0x75: {  	_ =	swait.ge [sflag:s21], $0x70  }
0x76: {  	[sflag:s21] =	ssyncset.done $0x0  }
0x77: {  	[sflag:s21] =	ssyncadd.s32 $0xFFFFFF90  }
0x78: {  	_ =	swait.ge [sflag:s21], $0x70  }
0x79: {  	[sflag:s21] =	ssyncset.done $0x0  }
0x7a: {  	[sflag:s21] =	ssyncadd.s32 $0xFFFFFF90  }
0x7b: {  	_ =	swait.ge [sflag:s21], $0x70  }
0x7c: {  	[sflag:s21] =	ssyncset.done $0x0  }
0x7d: {  	[sflag:s21] =	ssyncadd.s32 $0xFFFFFF90  }
0x7e: {  	_ =	swait.ge [sflag:s21], $0x70  }
0x7f: {  	[sflag:s21] =	ssyncset.done $0x0  }
0x80: {  	[sflag:s21] =	ssyncadd.s32 $0xFFFFFF90  }
0x81: {  	_ =	swait.ge [sflag:s21], $0x70  }
0x82: {  	[sflag:s21] =	ssyncset.done $0x0  }
0x83: {  	[sflag:s21] =	ssyncadd.s32 $0xFFFFFF90  }
0x84: {  	_ =	swait.ge [sflag:s21], $0x70  }
0x85: {  	[sflag:s21] =	ssyncset.done $0x0  }
0x86: {  	[sflag:s21] =	ssyncadd.s32 $0xFFFFFF90  }
0x87: {  	_ =	swait.ge [sflag:s21], $0x70  }
0x88: {  	[sflag:s21] =	ssyncset.done $0x0  }
0x89: {  	[sflag:s21] =	ssyncadd.s32 $0xFFFFFF90  }
0x8a: {  	_ =	swait.ge [sflag:s21], $0x70  }
0x8b: {  	[sflag:s21] =	ssyncset.done $0x0  }
0x8c: {  	[sflag:s21] =	ssyncadd.s32 $0xFFFFFF90  }
0x8d: {  	_ =	swait.ge [sflag:s21], $0x70  }
0x8e: {  	[sflag:s21] =	ssyncset.done $0x0  }
0x8f: {  	[sflag:s21] =	ssyncadd.s32 $0xFFFFFF90  }
0x90: {  	_ =	swait.ge [sflag:s21], $0x70  }
0x91: {  	[sflag:s21] =	ssyncset.done $0x0  }
0x92: {  	[sflag:s21] =	ssyncadd.s32 $0xFFFFFF90  }
0x93: {  	_ =	swait.ge [sflag:s21], $0x70  }
0x94: {  	[sflag:s21] =	ssyncset.done $0x0  }
0x95: {  	[sflag:s21] =	ssyncadd.s32 $0xFFFFFF90  }
0x96: {  	_ =	swait.ge [sflag:s21], $0x70  }
0x97: {  	[sflag:s21] =	ssyncset.done $0x0  }
0x98: {  	[sflag:s21] =	ssyncadd.s32 $0xFFFFFF90  }
0x99: {  	s6 =	sadd.s32 $0xFFFFFFFF, s6;
	_ =	swait.ge [sflag:s21], $0x70  }
0x9a: {  	p1 =	sne.s32 s6, $0x0;
	s22 =	sshrl.u32 @!p0 s1, $0x3;
	[sflag:s21] =	ssyncset.done $0x0  }
0x9b: {  	s23 =	simm.s32 @!p0 $0x1;
	s24 =	simm.s32 @!p0 $0x20;
	[sflag:s21] =	ssyncadd.s32 $0xFFFFFF90  }
0x9c: {  	s25 =	simm.s32 @!p0 $0x10;
	s26 =	simm.s32 @!p0 $0x1C02;
	[bflag:$0x0] =	sbarrier.arrive $0xFFFF  }
0x9d: {  	[hbm:s5@s24], [sflag:s26] =	dma.strided @!p0 [spmem:s22@s25], $0x80, s23, $0x10   }
.Ltmp1:
0x9e: {  	_ = 	snop;
	(pc) =	sbr.rel @!p1 .LBB2_4-.Ltmp1, $4  }
0x9f: {  	s22 =	simm.s32 @!p0 $0x2  }
0xa0: {  	_ =	swait.ge @!p0 [sflag:s22], $0x80  }
0xa1: {  	[sflag:s22] =	ssyncset.done @!p0 $0x0  }
0xa2: {  	[sflag:s22] =	ssyncadd.s32 @!p0 $0xFFFFFF80  }
.LBB2_1:
0xa3: {  	[tilespmem:s2], [sflag:$0x2] =	stream.linear.gather [hbm4b:s3+s2], $0xE00, $0x38;
	[tilespmem:$0x2440] =	vst v63  }
0xa4: {  	_ =	swait.ge [sflag:s7], $0xE00  }
0xa5: {  	[sflag:s7] =	ssyncset.done $0x0  }
.Ltmp2:
0xa6: {  	[sflag:s7] =	ssyncadd.s32 $0xFFFFF200;
	(pc) =	sbr.rel @p0 .LBB2_3-.Ltmp2, $4  }
0xa7: {  	[tilespmem:s8], [sflag:$0x2] =	stream.linear.gather [hbm4b:s4+s2], $0xE00, $0x38;
	[tilespmem:$0x2440] =	vst v63  }
0xa8: {  	_ =	swait.ge [sflag:s7], $0xE00  }
0xa9: {  	[sflag:s7] =	ssyncset.done $0x0  }
0xaa: {  	[sflag:s7] =	ssyncadd.s32 $0xFFFFF200  }
0xab: {  	[tilespmem:$0x2000] =	vst v0  }
0xac: {  	[tilespmem:$0x2010] =	vst v0  }
0xad: {  	[tilespmem:$0x2020] =	vst v0  }
0xae: {  	[tilespmem:$0x2030] =	vst v0  }
0xaf: {  	[tilespmem:$0x2040] =	vst v0  }
0xb0: {  	[tilespmem:$0x2050] =	vst v0  }
0xb1: {  	[tilespmem:$0x2060] =	vst v0  }
0xb2: {  	[tilespmem:$0x2070] =	vst v0  }
0xb3: {  	[tilespmem:$0x2080] =	vst v0  }
0xb4: {  	[tilespmem:$0x2090] =	vst v0  }
0xb5: {  	[tilespmem:$0x20A0] =	vst v0  }
0xb6: {  	[tilespmem:$0x20B0] =	vst v0  }
0xb7: {  	[tilespmem:$0x20C0] =	vst v0  }
0xb8: {  	[tilespmem:$0x20D0] =	vst v0  }
0xb9: {  	[tilespmem:$0x20E0] =	vst v0  }
0xba: {  	[tilespmem:$0x20F0] =	vst v0  }
0xbb: {  	[tilespmem:$0x2100] =	vst v0  }
0xbc: {  	[tilespmem:$0x2110] =	vst v0  }
0xbd: {  	[tilespmem:$0x2120] =	vst v0  }
0xbe: {  	[tilespmem:$0x2130] =	vst v0  }
0xbf: {  	[tilespmem:$0x2140] =	vst v0  }
0xc0: {  	[tilespmem:$0x2150] =	vst v0  }
0xc1: {  	[tilespmem:$0x2160] =	vst v0  }
0xc2: {  	[tilespmem:$0x2170] =	vst v0  }
0xc3: {  	[tilespmem:$0x2180] =	vst v0  }
0xc4: {  	[tilespmem:$0x2190] =	vst v0  }
0xc5: {  	[tilespmem:$0x21A0] =	vst v0  }
0xc6: {  	[tilespmem:$0x21B0] =	vst v0  }
0xc7: {  	[tilespmem:$0x21C0] =	vst v0  }
0xc8: {  	[tilespmem:$0x21D0] =	vst v0  }
0xc9: {  	[tilespmem:$0x21E0] =	vst v0  }
0xca: {  	[tilespmem:$0x21F0] =	vst v0  }
0xcb: {  	[tilespmem:$0x2200] =	vst v0  }
0xcc: {  	[tilespmem:$0x2210] =	vst v0  }
0xcd: {  	[tilespmem:$0x2220] =	vst v0  }
0xce: {  	[tilespmem:$0x2230] =	vst v0  }
0xcf: {  	[tilespmem:$0x2240] =	vst v0  }
0xd0: {  	[tilespmem:$0x2250] =	vst v0  }
0xd1: {  	[tilespmem:$0x2260] =	vst v0  }
0xd2: {  	[tilespmem:$0x2270] =	vst v0  }
0xd3: {  	[tilespmem:$0x2280] =	vst v0  }
0xd4: {  	[tilespmem:$0x2290] =	vst v0  }
0xd5: {  	[tilespmem:$0x22A0] =	vst v0  }
0xd6: {  	[tilespmem:$0x22B0] =	vst v0  }
0xd7: {  	[tilespmem:$0x22C0] =	vst v0  }
0xd8: {  	[tilespmem:$0x22D0] =	vst v0  }
0xd9: {  	[tilespmem:$0x22E0] =	vst v0  }
0xda: {  	[tilespmem:$0x22F0] =	vst v0  }
0xdb: {  	[tilespmem:$0x2300] =	vst v0  }
0xdc: {  	[tilespmem:$0x2310] =	vst v0  }
0xdd: {  	[tilespmem:$0x2320] =	vst v0  }
0xde: {  	[tilespmem:$0x2330] =	vst v0  }
0xdf: {  	[tilespmem:$0x2340] =	vst v0  }
0xe0: {  	[tilespmem:$0x2350] =	vst v0  }
0xe1: {  	[tilespmem:$0x2360] =	vst v0  }
0xe2: {  	[tilespmem:$0x2370] =	vst v0  }
0xe3: {  	[tilespmem:$0x2380] =	vst v0  }
0xe4: {  	[tilespmem:$0x2390] =	vst v0  }
0xe5: {  	[tilespmem:$0x23A0] =	vst v0  }
0xe6: {  	[tilespmem:$0x23B0] =	vst v0  }
0xe7: {  	[tilespmem:$0x23C0] =	vst v0  }
0xe8: {  	[tilespmem:$0x23D0] =	vst v0  }
0xe9: {  	[tilespmem:$0x23E0] =	vst v0  }
.Ltmp3:
0xea: {  	[tilespmem:$0x23F0] =	vst v0;
	s22 =	simm.s32 $0x2000;
	(pc) =	sbr.rel .LBB2_3-.Ltmp3, $4  }
0xeb: {  	[spmem:s1] =	stream.linear.scatter [tilespmem:s22], [sflag:$0x2], $0x400, $0x38;
	[tilespmem:$0x2440] =	vst v63  }
0xec: {  	_ =	swait.ge [sflag:s7], $0x400  }
0xed: {  	[sflag:s7] =	ssyncset.done $0x0  }
0xee: {  	[sflag:s7] =	ssyncadd.s32 $0xFFFFFC00  }
.LBB2_4:
0xef: {  	_ =	sfence.sel $0x180000  }
0xf0: {  	[bflag:$0x0] =	sbarrier.arrive $0xFFFF  }
0xf1: {  	_ =	strace $0x90000047  }
0xf2: {  	[bflag:$0x2] =	sbarrier.arrive $0xFFFF  }
0xf3: {  	s0 =	rddreg [dreg:$0x2]  }
0xf4: {  	s0 =	sadd.s32 @!p0 $0x100000, s0  }
0xf5: {  	[sflag:s0] =	ssyncadd.tile.s32 @!p0 $0x1;
	_ =	shalt  }
.Lfunc_end2:
_tile_overlayer_lowered:
.L_overlay_start_2:
0xf6: {  	(tag) =	ssettag $0x2  }
0xf7: {  	s0 =	rddreg [dreg:$0x0];
	s2 =	stileid.u32  }
0xf8: {  	s1 =	rddreg [dreg:$0x1];
	p0 =	sne.s32 s2, $0x0  }
0xf9: {  	s3 =	rddreg [dreg:$0x2];
	[bflag:$0x3] =	sbarrier.arrive $0xFFFF;
	s2 =	simm.s32 @!p0 $0x1C02  }
0xfa: {  	[timem:s3], [sflag:s2] =	dma.local @!p0 [hbm:s0], s1  }
0xfb: {  	s0 =	simm.s32 @!p0 $0x2  }
0xfc: {  	_ =	swait.ge @!p0 [sflag:s0], s1  }
0xfd: {  	s1 =	ssub.s32 @!p0 $0x0, s1;
	[sflag:s0] =	ssyncset.done @!p0 $0x0  }
0xfe: {  	[sflag:s0] =	ssyncadd.s32 @!p0 s1  }
0xff: {  	[bflag:$0x3] =	sbarrier.arrive $0xFFFF  }
0x100: {  	_ =	shalt  }

</sc_bundles>
